<compile_context>
chip_gen: v7x
topology: tpu7x:2x2x1
jax: 0.10.2.dev20260603
libtpu: 0.0.44.dev20260713+nightly
codegen_flags: <defaults>
</compile_context>

<pallas_src>
import functools

import jax
import jax.numpy as jnp
from jax import lax
from jax.experimental import pallas as pl
from jax.experimental.pallas import tpu as pltpu
from jax.experimental.pallas import tpu_sc as plsc

_JITTER = 0.01
_TM = 256
_FB = 1024
_NW = 32
_CHUNK = 32


def _router_body(tm, x_ref, gw_ref, logits_ref, pos1_ref, pos2_ref,
                 wa1_ref, wa2_ref, te_ref, na_ref):
    T, H = x_ref.shape
    E = gw_ref.shape[0]
    x = x_ref[...]
    logits = jnp.dot(x, gw_ref[...].T, preferred_element_type=jnp.float32)
    col = lax.broadcasted_iota(jnp.int32, (T, E), 1)
    neg_inf = jnp.float32(-jnp.inf)
    m1 = jnp.max(logits, axis=1, keepdims=True)
    e1 = jnp.min(jnp.where(logits == m1, col, E), axis=1, keepdims=True)
    masked = jnp.where(col == e1, neg_inf, logits)
    m2 = jnp.max(masked, axis=1, keepdims=True)
    e2 = jnp.min(jnp.where(masked == m2, col, E), axis=1, keepdims=True)
    eps = jnp.float32(2.0 * _JITTER)
    f1 = jnp.maximum(jnp.abs(logits), m1)
    p1 = jax.nn.softmax(jnp.where((m1 - logits) / f1 > eps, neg_inf, logits), axis=-1)
    mult1 = jnp.sum(jnp.where(col == e1, p1, 0.0), axis=1, keepdims=True)
    f2 = jnp.maximum(jnp.abs(logits), m2)
    ssc = jnp.where(col == e1, neg_inf, logits)
    p2 = jax.nn.softmax(jnp.where((m2 - logits) / f2 > eps, neg_inf, ssc), axis=-1)
    mult2 = jnp.sum(jnp.where(col == e2, p2, 0.0), axis=1, keepdims=True)

    onehot1 = (col == e1).astype(jnp.float32)
    onehot2 = (col == e2).astype(jnp.float32)
    ri = lax.broadcasted_iota(jnp.int32, (T, T), 0)
    ci = lax.broadcasted_iota(jnp.int32, (T, T), 1)
    tri = (ci < ri).astype(jnp.float32)
    c1 = jnp.dot(tri, onehot1, preferred_element_type=jnp.float32)
    c2 = jnp.dot(tri, onehot2, preferred_element_type=jnp.float32)
    g1 = jnp.sum(onehot1, axis=0, keepdims=True)
    g2 = jnp.sum(onehot2, axis=0, keepdims=True)
    g = g1 + g2
    gp = jnp.floor((g + (tm - 1)) / tm) * tm
    col8 = lax.broadcasted_iota(jnp.int32, (1, E), 1)
    poff = jnp.zeros((1, E), jnp.float32)
    for ep in range(E):
        gp_e = jnp.sum(jnp.where(col8 == ep, gp, 0.0), axis=1, keepdims=True)
        poff = poff + jnp.where(col8 > ep, gp_e, 0.0)
    pend = poff + gp
    pos1 = jnp.sum((poff + c1) * onehot1, axis=1, keepdims=True)
    pos2 = jnp.sum((poff + g1 + c2) * onehot2, axis=1, keepdims=True)

    ti = lax.broadcasted_iota(jnp.int32, (1, 128), 1).astype(jnp.float32)
    te = jnp.zeros((1, 128), jnp.float32)
    for ep in range(E):
        pend_e = jnp.sum(jnp.where(col8 == ep, pend, 0.0), axis=1, keepdims=True)
        te = te + (ti * tm >= pend_e).astype(jnp.float32)
    ptot = jnp.sum(jnp.where(col8 == E - 1, pend, 0.0), axis=1, keepdims=True)

    logits_ref[...] = logits
    pos1_ref[...] = pos1.astype(jnp.int32)
    pos2_ref[...] = pos2.astype(jnp.int32)
    wa1_ref[...] = mult1
    wa2_ref[...] = mult2
    te_ref[...] = jnp.minimum(te, E - 1).astype(jnp.int32)
    na_ref[...] = (ptot / tm).astype(jnp.int32)


def _run_router(x, gate_w, tm):
    T, _ = x.shape
    E = gate_w.shape[0]
    return pl.pallas_call(
        functools.partial(_router_body, tm),
        out_shape=[
            jax.ShapeDtypeStruct((T, E), jnp.float32),
            jax.ShapeDtypeStruct((T, 1), jnp.int32),
            jax.ShapeDtypeStruct((T, 1), jnp.int32),
            jax.ShapeDtypeStruct((T, 1), jnp.float32),
            jax.ShapeDtypeStruct((T, 1), jnp.float32),
            jax.ShapeDtypeStruct((1, 128), jnp.int32),
            jax.ShapeDtypeStruct((1, 1), jnp.int32),
        ],
    )(x, gate_w)


def _sc_scatter_body(T, half, nch, x_hbm, pos1_hbm, pos2_hbm, xs_hbm,
                     xbuf, idx, sem):
    wid = lax.axis_index("s") * 2 + lax.axis_index("c")

    def do_slot(pos_hbm, base):
        for c in range(nch):
            tb = base + c * _CHUNK
            pltpu.sync_copy(x_hbm.at[pl.ds(tb, _CHUNK)], xbuf)
            pltpu.sync_copy(pos_hbm.at[pl.ds(tb, _CHUNK)], idx)
            pltpu.async_copy(xbuf, xs_hbm.at[idx], sem).wait()

    @pl.when(wid < half)
    def _():
        do_slot(pos1_hbm, wid * nch * _CHUNK)

    @pl.when(wid >= half)
    def _():
        do_slot(pos2_hbm, (wid - half) * nch * _CHUNK)


def _run_scatter(x, pos1, pos2, P):
    T, H = x.shape
    half = _NW // 2
    nch = T // (half * _CHUNK)
    mesh = plsc.VectorSubcoreMesh(core_axis_name="c", subcore_axis_name="s")
    fn = pl.kernel(
        functools.partial(_sc_scatter_body, T, half, nch),
        mesh=mesh,
        out_type=jax.ShapeDtypeStruct((P, H), jnp.float32),
        scratch_types=[
            pltpu.VMEM((_CHUNK, H), jnp.float32),
            pltpu.VMEM((_CHUNK,), jnp.int32),
            pltpu.SemaphoreType.DMA,
        ],
    )
    return fn(x, pos1, pos2)


def _group_body(te_ref, na_ref, x_ref, w1_ref, w3_ref, w2_ref, out_ref):
    i = pl.program_id(0)
    f = pl.program_id(1)

    @pl.when(i < na_ref[0])
    def _():
        x = x_ref[...]
        a = jnp.dot(x, w1_ref[0].T, preferred_element_type=jnp.float32)
        b = jnp.dot(x, w3_ref[0].T, preferred_element_type=jnp.float32)
        h = a * jax.nn.sigmoid(a) * b
        o = jnp.dot(h, w2_ref[0].T, preferred_element_type=jnp.float32)

        @pl.when(f == 0)
        def _init():
            out_ref[...] = o

        @pl.when(f > 0)
        def _acc():
            out_ref[...] += o


def _run_group(te_arr, na_arr, x_s, w1, w3, w2, NT):
    P, H = x_s.shape
    E, F, _ = w1.shape
    NF = F // _FB
    grid_spec = pltpu.PrefetchScalarGridSpec(
        num_scalar_prefetch=2,
        grid=(NT, NF),
        in_specs=[
            pl.BlockSpec((_TM, H), lambda i, f, te, na: (i, 0)),
            pl.BlockSpec((1, _FB, H), lambda i, f, te, na: (te[i], f, 0)),
            pl.BlockSpec((1, _FB, H), lambda i, f, te, na: (te[i], f, 0)),
            pl.BlockSpec((1, H, _FB), lambda i, f, te, na: (te[i], 0, f)),
        ],
        out_specs=pl.BlockSpec((_TM, H), lambda i, f, te, na: (i, 0)),
    )
    return pl.pallas_call(
        _group_body,
        grid_spec=grid_spec,
        out_shape=jax.ShapeDtypeStruct((P, H), jnp.float32),
        compiler_params=pltpu.CompilerParams(
            dimension_semantics=("arbitrary", "arbitrary"),
        ),
    )(te_arr, na_arr, x_s, w1, w3, w2)


def _sc_gather_body(T, nch, outs_hbm, pos1_hbm, pos2_hbm, g1_hbm, g2_hbm,
                    buf, idx, sem):
    wid = lax.axis_index("s") * 2 + lax.axis_index("c")
    base = wid * nch * _CHUNK
    for c in range(nch):
        tb = base + c * _CHUNK
        pltpu.sync_copy(pos1_hbm.at[pl.ds(tb, _CHUNK)], idx)
        pltpu.async_copy(outs_hbm.at[idx], buf, sem).wait()
        pltpu.sync_copy(buf, g1_hbm.at[pl.ds(tb, _CHUNK)])
        pltpu.sync_copy(pos2_hbm.at[pl.ds(tb, _CHUNK)], idx)
        pltpu.async_copy(outs_hbm.at[idx], buf, sem).wait()
        pltpu.sync_copy(buf, g2_hbm.at[pl.ds(tb, _CHUNK)])


def _run_gather(out_s, pos1, pos2, T):
    P, H = out_s.shape
    nch = T // (_NW * _CHUNK)
    mesh = plsc.VectorSubcoreMesh(core_axis_name="c", subcore_axis_name="s")
    fn = pl.kernel(
        functools.partial(_sc_gather_body, T, nch),
        mesh=mesh,
        out_type=[
            jax.ShapeDtypeStruct((T, H), jnp.float32),
            jax.ShapeDtypeStruct((T, H), jnp.float32),
        ],
        scratch_types=[
            pltpu.VMEM((_CHUNK, H), jnp.float32),
            pltpu.VMEM((_CHUNK,), jnp.int32),
            pltpu.SemaphoreType.DMA,
        ],
    )
    return fn(out_s, pos1, pos2)


def _combine_body(g1_ref, g2_ref, wa1_ref, wa2_ref, out_ref):
    out_ref[...] = wa1_ref[...] * g1_ref[...] + wa2_ref[...] * g2_ref[...]


def _run_combine(g1, g2, wa1, wa2):
    T, H = g1.shape
    return pl.pallas_call(
        _combine_body,
        out_shape=jax.ShapeDtypeStruct((T, H), jnp.float32),
    )(g1, g2, wa1, wa2)


def kernel(hidden_states, gate_w, w1, w2, w3):
    b, s, H = hidden_states.shape
    T = b * s
    E, F, _ = w1.shape
    x = hidden_states.reshape(T, H)
    NT = (2 * T + E * (_TM - 1)) // _TM
    P = NT * _TM

    logits, pos1, pos2, wa1, wa2, te, na = _run_router(x, gate_w, _TM)
    pos1f = pos1.reshape(T)
    pos2f = pos2.reshape(T)
    x_s = _run_scatter(x, pos1f, pos2f, P)
    out_s = _run_group(te.reshape(-1), na.reshape(-1), x_s, w1, w3, w2, NT)
    g1, g2 = _run_gather(out_s, pos1f, pos2f, T)
    final = _run_combine(g1, g2, wa1, wa2)
    return final.reshape(b, s, H), logits

# --- scband reference (transcript-rebuilt; emitter-appended) ---
"""Pipeline reference for scband-phi-mo-esparse-moe-block-18820546691499 (READ-ONLY COPY).

The authoritative reference and input builder live on the scoring server;
editing this copy changes nothing except your own understanding.
"""

import jax, jax.numpy as jnp
import numpy as np

HIDDEN = 1024
FFN = 2048
E = 8
TOPK = 2
JITTER = 0.01
B, S = 1, 2048


def setup_inputs(seed: int = 0) -> dict:
    key = jax.random.key(seed)
    ks = jax.random.split(key, 5)
    hidden_states = jax.random.normal(ks[0], (B, S, HIDDEN), dtype=jnp.float32)
    gate_w = jax.random.normal(ks[1], (E, HIDDEN), dtype=jnp.float32) * 0.02
    w1 = jax.random.normal(ks[2], (E, FFN, HIDDEN), dtype=jnp.float32) * 0.02
    w2 = jax.random.normal(ks[3], (E, HIDDEN, FFN), dtype=jnp.float32) * 0.02
    w3 = jax.random.normal(ks[4], (E, FFN, HIDDEN), dtype=jnp.float32) * 0.02
    return {"hidden_states": hidden_states, "gate_w": gate_w, "w1": w1, "w2": w2, "w3": w3}


def _masked_sampling_omp(scores, jitter_eps):
    # Faithful port of masked_sampling_omp_inference (top_k == 2, inference mode)
    top2_vals, top2_idx = jax.lax.top_k(scores, 2)
    thr1 = top2_vals[:, 0:1]
    factor1 = jnp.maximum(jnp.abs(scores), thr1)
    mask1 = (thr1 - scores) / factor1 > 2.0 * jitter_eps
    probs1 = jax.nn.softmax(jnp.where(mask1, -jnp.inf, scores), axis=-1)
    mult1 = jnp.take_along_axis(probs1, top2_idx[:, 0:1], axis=-1)
    thr2 = top2_vals[:, 1:2]
    factor2 = jnp.maximum(jnp.abs(scores), thr2)
    mask2 = (thr2 - scores) / factor2 > 2.0 * jitter_eps
    col = jnp.arange(scores.shape[-1])[None, :]
    scores_sc = jnp.where(col == top2_idx[:, 0:1], -jnp.inf, scores)
    probs2 = jax.nn.softmax(jnp.where(mask2, -jnp.inf, scores_sc), axis=-1)
    mult2 = jnp.take_along_axis(probs2, top2_idx[:, 1:2], axis=-1)
    routing_weights = jnp.concatenate([mult1, mult2], axis=-1)
    return routing_weights, top2_idx


def reference(hidden_states, gate_w, w1, w2, w3):
    b, s, h = hidden_states.shape
    x = hidden_states.reshape(-1, h)
    router_logits = x @ gate_w.T  # [T, E]
    routing_weights, selected_experts = _masked_sampling_omp(router_logits, JITTER)
    out = jnp.zeros_like(x)
    for e in range(E):
        # per-token weight for expert e (token routed to e in either top-k slot)
        w_e = jnp.sum(routing_weights * (selected_experts == e).astype(routing_weights.dtype), axis=-1)
        h1 = jax.nn.silu(x @ w1[e].T) * (x @ w3[e].T)
        out = out + (h1 @ w2[e].T) * w_e[:, None]
    final_hidden_states = out.reshape(b, s, h)
    return final_hidden_states, router_logits

if __name__ == "__main__":
    import jax
    _d = setup_inputs()
    print(jax.jit(kernel)(*tuple(_d.values())))

</pallas_src>

<mosaic_0001>
#map = affine_map<(d0, d1) -> (0, 0)>
#map1 = affine_map<(d0, d1) -> (0)>
module attributes {stable_mosaic.version = 14 : i64} {
  func.func @_sc_scatter_body(%arg0: i32, %arg1: i32, %arg2: memref<2048x1024xf32, #tpu.memory_space<hbm>>, %arg3: memref<2048xi32, #tpu.memory_space<hbm>>, %arg4: memref<2048xi32, #tpu.memory_space<hbm>>, %arg5: memref<5888x1024xf32, #tpu.memory_space<hbm>>, %arg6: memref<32x1024xf32, #tpu.memory_space<vmem>>, %arg7: memref<32xi32, #tpu.memory_space<vmem>>, %arg8: memref<!tpu.dma_semaphore, #tpu.memory_space<semaphore_mem>>) attributes {dimension_semantics = [#tpu.dimension_semantics<core_parallel>, #tpu.dimension_semantics<subcore_parallel>], iteration_bounds = array<i64: 2, 16>, scalar_prefetch = 0 : i64, scratch_operands = 3 : i64, tpu.core_type = #tpu.core_type<sc_vector_subcore>, window_params = [{transform_indices = #map}, {transform_indices = #map1}, {transform_indices = #map1}, {transform_indices = #map}]} {
    %mul3A = arith.constant 2 : i32
    %mul3A_0 = arith.muli %arg1, %mul3A : i32
    %add3A = arith.addi %mul3A_0, %arg0 : i32
    %lt3A = arith.constant 16 : i32
    %lt3A_1 = arith.cmpi slt, %add3A, %lt3A : i32
    %convert_element_type3A = arith.extui %lt3A_1 : i1 to i32
    %cond3A = arith.constant 0 : i32
    %cond3A_2 = arith.cmpi ne, %convert_element_type3A, %cond3A : i32
    scf.if %cond3A_2 {
      %mul3A_7 = arith.constant 4 : i32
      %mul3A_8 = arith.muli %add3A, %mul3A_7 : i32
      %mul3A_9 = arith.constant 32 : i32
      %mul3A_10 = arith.muli %mul3A_8, %mul3A_9 : i32
      %add3A_11 = arith.constant 0 : i32
      %add3A_12 = arith.addi %mul3A_10, %add3A_11 : i32
      "tpu.region"() ({
        %run_scoped3A = tpu.sem_alloc : memref<!tpu.dma_semaphore, #tpu.memory_space<semaphore_mem>>
        %dma_start3A_41 = arith.constant 0 : i32
        %dma_start3A_42 = tpu.memref_slice %arg2[%add3A_12, %dma_start3A_41] : memref<2048x1024xf32, #tpu.memory_space<hbm>> -> memref<32x1024xf32, #tpu.memory_space<hbm>>
        %dma_start3A_43 = arith.constant 0 : i32
        %dma_start3A_44 = tpu.memref_slice %arg2[%add3A_12, %dma_start3A_43] : memref<2048x1024xf32, #tpu.memory_space<hbm>> -> memref<32x1024xf32, #tpu.memory_space<hbm>>
        tpu.enqueue_dma source(%dma_start3A_44 : memref<32x1024xf32, #tpu.memory_space<hbm>>) target(%arg6 : memref<32x1024xf32, #tpu.memory_space<vmem>>) target_semaphore(%run_scoped3A : memref<!tpu.dma_semaphore, #tpu.memory_space<semaphore_mem>>)
        %dma_wait3A_45 = arith.constant 0 : i32
        %dma_wait3A_46 = tpu.memref_slice %arg2[%add3A_12, %dma_wait3A_45] : memref<2048x1024xf32, #tpu.memory_space<hbm>> -> memref<32x1024xf32, #tpu.memory_space<hbm>>
        %dma_wait3A_47 = arith.constant 0 : i32
        %dma_wait3A_48 = tpu.memref_slice %arg2[%add3A_12, %dma_wait3A_47] : memref<2048x1024xf32, #tpu.memory_space<hbm>> -> memref<32x1024xf32, #tpu.memory_space<hbm>>
        tpu.wait_dma2 semaphore(%run_scoped3A : memref<!tpu.dma_semaphore, #tpu.memory_space<semaphore_mem>>) src(%dma_wait3A_48 : memref<32x1024xf32, #tpu.memory_space<hbm>>) dst(%arg6 : memref<32x1024xf32, #tpu.memory_space<vmem>>)
        tpu.yield
      }) : () -> ()
      "tpu.region"() ({
        %run_scoped3A = tpu.sem_alloc : memref<!tpu.dma_semaphore, #tpu.memory_space<semaphore_mem>>
        %dma_start3A_41 = tpu.memref_slice %arg3[%add3A_12] : memref<2048xi32, #tpu.memory_space<hbm>> -> memref<32xi32, #tpu.memory_space<hbm>>
        %dma_start3A_42 = tpu.memref_slice %arg3[%add3A_12] : memref<2048xi32, #tpu.memory_space<hbm>> -> memref<32xi32, #tpu.memory_space<hbm>>
        tpu.enqueue_dma source(%dma_start3A_42 : memref<32xi32, #tpu.memory_space<hbm>>) target(%arg7 : memref<32xi32, #tpu.memory_space<vmem>>) target_semaphore(%run_scoped3A : memref<!tpu.dma_semaphore, #tpu.memory_space<semaphore_mem>>)
        %dma_wait3A_43 = tpu.memref_slice %arg3[%add3A_12] : memref<2048xi32, #tpu.memory_space<hbm>> -> memref<32xi32, #tpu.memory_space<hbm>>
        %dma_wait3A_44 = tpu.memref_slice %arg3[%add3A_12] : memref<2048xi32, #tpu.memory_space<hbm>> -> memref<32xi32, #tpu.memory_space<hbm>>
        tpu.wait_dma2 semaphore(%run_scoped3A : memref<!tpu.dma_semaphore, #tpu.memory_space<semaphore_mem>>) src(%dma_wait3A_44 : memref<32xi32, #tpu.memory_space<hbm>>) dst(%arg7 : memref<32xi32, #tpu.memory_space<vmem>>)
        tpu.yield
      }) : () -> ()
      %dma_start3A = arith.constant 0 : i32
      %dma_start3A_13 = arith.constant 0 : i32
      %dma_start3A_14 = tpu.memref_slice %arg5[%dma_start3A, %dma_start3A_13] : memref<5888x1024xf32, #tpu.memory_space<hbm>> -> memref<5888x1024xf32, #tpu.memory_space<hbm>>
      tpu.enqueue_indirect_dma source(%arg6 : memref<32x1024xf32, #tpu.memory_space<vmem>>) target(%dma_start3A_14 : memref<5888x1024xf32, #tpu.memory_space<hbm>>) offsets(%arg7 : memref<32xi32, #tpu.memory_space<vmem>>) semaphore(%arg8 : memref<!tpu.dma_semaphore, #tpu.memory_space<semaphore_mem>>)
      %dma_wait3A = arith.constant 0 : i32
      %dma_wait3A_15 = arith.constant 0 : i32
      %dma_wait3A_16 = tpu.memref_slice %arg5[%dma_wait3A, %dma_wait3A_15] : memref<5888x1024xf32, #tpu.memory_space<hbm>> -> memref<5888x1024xf32, #tpu.memory_space<hbm>>
      tpu.wait_indirect_dma semaphore(%arg8 : memref<!tpu.dma_semaphore, #tpu.memory_space<semaphore_mem>>) src(%arg6 : memref<32x1024xf32, #tpu.memory_space<vmem>>) dst(%dma_wait3A_16 : memref<5888x1024xf32, #tpu.memory_space<hbm>>)
      %add3A_17 = arith.constant 32 : i32
      %add3A_18 = arith.addi %mul3A_10, %add3A_17 : i32
      "tpu.region"() ({
        %run_scoped3A = tpu.sem_alloc : memref<!tpu.dma_semaphore, #tpu.memory_space<semaphore_mem>>
        %dma_start3A_41 = arith.constant 0 : i32
        %dma_start3A_42 = tpu.memref_slice %arg2[%add3A_18, %dma_start3A_41] : memref<2048x1024xf32, #tpu.memory_space<hbm>> -> memref<32x1024xf32, #tpu.memory_space<hbm>>
        %dma_start3A_43 = arith.constant 0 : i32
        %dma_start3A_44 = tpu.memref_slice %arg2[%add3A_18, %dma_start3A_43] : memref<2048x1024xf32, #tpu.memory_space<hbm>> -> memref<32x1024xf32, #tpu.memory_space<hbm>>
        tpu.enqueue_dma source(%dma_start3A_44 : memref<32x1024xf32, #tpu.memory_space<hbm>>) target(%arg6 : memref<32x1024xf32, #tpu.memory_space<vmem>>) target_semaphore(%run_scoped3A : memref<!tpu.dma_semaphore, #tpu.memory_space<semaphore_mem>>)
        %dma_wait3A_45 = arith.constant 0 : i32
        %dma_wait3A_46 = tpu.memref_slice %arg2[%add3A_18, %dma_wait3A_45] : memref<2048x1024xf32, #tpu.memory_space<hbm>> -> memref<32x1024xf32, #tpu.memory_space<hbm>>
        %dma_wait3A_47 = arith.constant 0 : i32
        %dma_wait3A_48 = tpu.memref_slice %arg2[%add3A_18, %dma_wait3A_47] : memref<2048x1024xf32, #tpu.memory_space<hbm>> -> memref<32x1024xf32, #tpu.memory_space<hbm>>
        tpu.wait_dma2 semaphore(%run_scoped3A : memref<!tpu.dma_semaphore, #tpu.memory_space<semaphore_mem>>) src(%dma_wait3A_48 : memref<32x1024xf32, #tpu.memory_space<hbm>>) dst(%arg6 : memref<32x1024xf32, #tpu.memory_space<vmem>>)
        tpu.yield
      }) : () -> ()
      "tpu.region"() ({
        %run_scoped3A = tpu.sem_alloc : memref<!tpu.dma_semaphore, #tpu.memory_space<semaphore_mem>>
        %dma_start3A_41 = tpu.memref_slice %arg3[%add3A_18] : memref<2048xi32, #tpu.memory_space<hbm>> -> memref<32xi32, #tpu.memory_space<hbm>>
        %dma_start3A_42 = tpu.memref_slice %arg3[%add3A_18] : memref<2048xi32, #tpu.memory_space<hbm>> -> memref<32xi32, #tpu.memory_space<hbm>>
        tpu.enqueue_dma source(%dma_start3A_42 : memref<32xi32, #tpu.memory_space<hbm>>) target(%arg7 : memref<32xi32, #tpu.memory_space<vmem>>) target_semaphore(%run_scoped3A : memref<!tpu.dma_semaphore, #tpu.memory_space<semaphore_mem>>)
        %dma_wait3A_43 = tpu.memref_slice %arg3[%add3A_18] : memref<2048xi32, #tpu.memory_space<hbm>> -> memref<32xi32, #tpu.memory_space<hbm>>
        %dma_wait3A_44 = tpu.memref_slice %arg3[%add3A_18] : memref<2048xi32, #tpu.memory_space<hbm>> -> memref<32xi32, #tpu.memory_space<hbm>>
        tpu.wait_dma2 semaphore(%run_scoped3A : memref<!tpu.dma_semaphore, #tpu.memory_space<semaphore_mem>>) src(%dma_wait3A_44 : memref<32xi32, #tpu.memory_space<hbm>>) dst(%arg7 : memref<32xi32, #tpu.memory_space<vmem>>)
        tpu.yield
      }) : () -> ()
      %dma_start3A_19 = arith.constant 0 : i32
      %dma_start3A_20 = arith.constant 0 : i32
      %dma_start3A_21 = tpu.memref_slice %arg5[%dma_start3A_19, %dma_start3A_20] : memref<5888x1024xf32, #tpu.memory_space<hbm>> -> memref<5888x1024xf32, #tpu.memory_space<hbm>>
      tpu.enqueue_indirect_dma source(%arg6 : memref<32x1024xf32, #tpu.memory_space<vmem>>) target(%dma_start3A_21 : memref<5888x1024xf32, #tpu.memory_space<hbm>>) offsets(%arg7 : memref<32xi32, #tpu.memory_space<vmem>>) semaphore(%arg8 : memref<!tpu.dma_semaphore, #tpu.memory_space<semaphore_mem>>)
      %dma_wait3A_22 = arith.constant 0 : i32
      %dma_wait3A_23 = arith.constant 0 : i32
      %dma_wait3A_24 = tpu.memref_slice %arg5[%dma_wait3A_22, %dma_wait3A_23] : memref<5888x1024xf32, #tpu.memory_space<hbm>> -> memref<5888x1024xf32, #tpu.memory_space<hbm>>
      tpu.wait_indirect_dma semaphore(%arg8 : memref<!tpu.dma_semaphore, #tpu.memory_space<semaphore_mem>>) src(%arg6 : memref<32x1024xf32, #tpu.memory_space<vmem>>) dst(%dma_wait3A_24 : memref<5888x1024xf32, #tpu.memory_space<hbm>>)
      %add3A_25 = arith.constant 64 : i32
      %add3A_26 = arith.addi %mul3A_10, %add3A_25 : i32
      "tpu.region"() ({
        %run_scoped3A = tpu.sem_alloc : memref<!tpu.dma_semaphore, #tpu.memory_space<semaphore_mem>>
        %dma_start3A_41 = arith.constant 0 : i32
        %dma_start3A_42 = tpu.memref_slice %arg2[%add3A_26, %dma_start3A_41] : memref<2048x1024xf32, #tpu.memory_space<hbm>> -> memref<32x1024xf32, #tpu.memory_space<hbm>>
        %dma_start3A_43 = arith.constant 0 : i32
        %dma_start3A_44 = tpu.memref_slice %arg2[%add3A_26, %dma_start3A_43] : memref<2048x1024xf32, #tpu.memory_space<hbm>> -> memref<32x1024xf32, #tpu.memory_space<hbm>>
        tpu.enqueue_dma source(%dma_start3A_44 : memref<32x1024xf32, #tpu.memory_space<hbm>>) target(%arg6 : memref<32x1024xf32, #tpu.memory_space<vmem>>) target_semaphore(%run_scoped3A : memref<!tpu.dma_semaphore, #tpu.memory_space<semaphore_mem>>)
        %dma_wait3A_45 = arith.constant 0 : i32
        %dma_wait3A_46 = tpu.memref_slice %arg2[%add3A_26, %dma_wait3A_45] : memref<2048x1024xf32, #tpu.memory_space<hbm>> -> memref<32x1024xf32, #tpu.memory_space<hbm>>
        %dma_wait3A_47 = arith.constant 0 : i32
        %dma_wait3A_48 = tpu.memref_slice %arg2[%add3A_26, %dma_wait3A_47] : memref<2048x1024xf32, #tpu.memory_space<hbm>> -> memref<32x1024xf32, #tpu.memory_space<hbm>>
        tpu.wait_dma2 semaphore(%run_scoped3A : memref<!tpu.dma_semaphore, #tpu.memory_space<semaphore_mem>>) src(%dma_wait3A_48 : memref<32x1024xf32, #tpu.memory_space<hbm>>) dst(%arg6 : memref<32x1024xf32, #tpu.memory_space<vmem>>)
        tpu.yield
      }) : () -> ()
      "tpu.region"() ({
        %run_scoped3A = tpu.sem_alloc : memref<!tpu.dma_semaphore, #tpu.memory_space<semaphore_mem>>
        %dma_start3A_41 = tpu.memref_slice %arg3[%add3A_26] : memref<2048xi32, #tpu.memory_space<hbm>> -> memref<32xi32, #tpu.memory_space<hbm>>
        %dma_start3A_42 = tpu.memref_slice %arg3[%add3A_26] : memref<2048xi32, #tpu.memory_space<hbm>> -> memref<32xi32, #tpu.memory_space<hbm>>
        tpu.enqueue_dma source(%dma_start3A_42 : memref<32xi32, #tpu.memory_space<hbm>>) target(%arg7 : memref<32xi32, #tpu.memory_space<vmem>>) target_semaphore(%run_scoped3A : memref<!tpu.dma_semaphore, #tpu.memory_space<semaphore_mem>>)
        %dma_wait3A_43 = tpu.memref_slice %arg3[%add3A_26] : memref<2048xi32, #tpu.memory_space<hbm>> -> memref<32xi32, #tpu.memory_space<hbm>>
        %dma_wait3A_44 = tpu.memref_slice %arg3[%add3A_26] : memref<2048xi32, #tpu.memory_space<hbm>> -> memref<32xi32, #tpu.memory_space<hbm>>
        tpu.wait_dma2 semaphore(%run_scoped3A : memref<!tpu.dma_semaphore, #tpu.memory_space<semaphore_mem>>) src(%dma_wait3A_44 : memref<32xi32, #tpu.memory_space<hbm>>) dst(%arg7 : memref<32xi32, #tpu.memory_space<vmem>>)
        tpu.yield
      }) : () -> ()
      %dma_start3A_27 = arith.constant 0 : i32
      %dma_start3A_28 = arith.constant 0 : i32
      %dma_start3A_29 = tpu.memref_slice %arg5[%dma_start3A_27, %dma_start3A_28] : memref<5888x1024xf32, #tpu.memory_space<hbm>> -> memref<5888x1024xf32, #tpu.memory_space<hbm>>
      tpu.enqueue_indirect_dma source(%arg6 : memref<32x1024xf32, #tpu.memory_space<vmem>>) target(%dma_start3A_29 : memref<5888x1024xf32, #tpu.memory_space<hbm>>) offsets(%arg7 : memref<32xi32, #tpu.memory_space<vmem>>) semaphore(%arg8 : memref<!tpu.dma_semaphore, #tpu.memory_space<semaphore_mem>>)
      %dma_wait3A_30 = arith.constant 0 : i32
      %dma_wait3A_31 = arith.constant 0 : i32
      %dma_wait3A_32 = tpu.memref_slice %arg5[%dma_wait3A_30, %dma_wait3A_31] : memref<5888x1024xf32, #tpu.memory_space<hbm>> -> memref<5888x1024xf32, #tpu.memory_space<hbm>>
      tpu.wait_indirect_dma semaphore(%arg8 : memref<!tpu.dma_semaphore, #tpu.memory_space<semaphore_mem>>) src(%arg6 : memref<32x1024xf32, #tpu.memory_space<vmem>>) dst(%dma_wait3A_32 : memref<5888x1024xf32, #tpu.memory_space<hbm>>)
      %add3A_33 = arith.constant 96 : i32
      %add3A_34 = arith.addi %mul3A_10, %add3A_33 : i32
      "tpu.region"() ({
        %run_scoped3A = tpu.sem_alloc : memref<!tpu.dma_semaphore, #tpu.memory_space<semaphore_mem>>
        %dma_start3A_41 = arith.constant 0 : i32
        %dma_start3A_42 = tpu.memref_slice %arg2[%add3A_34, %dma_start3A_41] : memref<2048x1024xf32, #tpu.memory_space<hbm>> -> memref<32x1024xf32, #tpu.memory_space<hbm>>
        %dma_start3A_43 = arith.constant 0 : i32
        %dma_start3A_44 = tpu.memref_slice %arg2[%add3A_34, %dma_start3A_43] : memref<2048x1024xf32, #tpu.memory_space<hbm>> -> memref<32x1024xf32, #tpu.memory_space<hbm>>
        tpu.enqueue_dma source(%dma_start3A_44 : memref<32x1024xf32, #tpu.memory_space<hbm>>) target(%arg6 : memref<32x1024xf32, #tpu.memory_space<vmem>>) target_semaphore(%run_scoped3A : memref<!tpu.dma_semaphore, #tpu.memory_space<semaphore_mem>>)
        %dma_wait3A_45 = arith.constant 0 : i32
        %dma_wait3A_46 = tpu.memref_slice %arg2[%add3A_34, %dma_wait3A_45] : memref<2048x1024xf32, #tpu.memory_space<hbm>> -> memref<32x1024xf32, #tpu.memory_space<hbm>>
        %dma_wait3A_47 = arith.constant 0 : i32
        %dma_wait3A_48 = tpu.memref_slice %arg2[%add3A_34, %dma_wait3A_47] : memref<2048x1024xf32, #tpu.memory_space<hbm>> -> memref<32x1024xf32, #tpu.memory_space<hbm>>
        tpu.wait_dma2 semaphore(%run_scoped3A : memref<!tpu.dma_semaphore, #tpu.memory_space<semaphore_mem>>) src(%dma_wait3A_48 : memref<32x1024xf32, #tpu.memory_space<hbm>>) dst(%arg6 : memref<32x1024xf32, #tpu.memory_space<vmem>>)
        tpu.yield
      }) : () -> ()
      "tpu.region"() ({
        %run_scoped3A = tpu.sem_alloc : memref<!tpu.dma_semaphore, #tpu.memory_space<semaphore_mem>>
        %dma_start3A_41 = tpu.memref_slice %arg3[%add3A_34] : memref<2048xi32, #tpu.memory_space<hbm>> -> memref<32xi32, #tpu.memory_space<hbm>>
        %dma_start3A_42 = tpu.memref_slice %arg3[%add3A_34] : memref<2048xi32, #tpu.memory_space<hbm>> -> memref<32xi32, #tpu.memory_space<hbm>>
        tpu.enqueue_dma source(%dma_start3A_42 : memref<32xi32, #tpu.memory_space<hbm>>) target(%arg7 : memref<32xi32, #tpu.memory_space<vmem>>) target_semaphore(%run_scoped3A : memref<!tpu.dma_semaphore, #tpu.memory_space<semaphore_mem>>)
        %dma_wait3A_43 = tpu.memref_slice %arg3[%add3A_34] : memref<2048xi32, #tpu.memory_space<hbm>> -> memref<32xi32, #tpu.memory_space<hbm>>
        %dma_wait3A_44 = tpu.memref_slice %arg3[%add3A_34] : memref<2048xi32, #tpu.memory_space<hbm>> -> memref<32xi32, #tpu.memory_space<hbm>>
        tpu.wait_dma2 semaphore(%run_scoped3A : memref<!tpu.dma_semaphore, #tpu.memory_space<semaphore_mem>>) src(%dma_wait3A_44 : memref<32xi32, #tpu.memory_space<hbm>>) dst(%arg7 : memref<32xi32, #tpu.memory_space<vmem>>)
        tpu.yield
      }) : () -> ()
      %dma_start3A_35 = arith.constant 0 : i32
      %dma_start3A_36 = arith.constant 0 : i32
      %dma_start3A_37 = tpu.memref_slice %arg5[%dma_start3A_35, %dma_start3A_36] : memref<5888x1024xf32, #tpu.memory_space<hbm>> -> memref<5888x1024xf32, #tpu.memory_space<hbm>>
      tpu.enqueue_indirect_dma source(%arg6 : memref<32x1024xf32, #tpu.memory_space<vmem>>) target(%dma_start3A_37 : memref<5888x1024xf32, #tpu.memory_space<hbm>>) offsets(%arg7 : memref<32xi32, #tpu.memory_space<vmem>>) semaphore(%arg8 : memref<!tpu.dma_semaphore, #tpu.memory_space<semaphore_mem>>)
      %dma_wait3A_38 = arith.constant 0 : i32
      %dma_wait3A_39 = arith.constant 0 : i32
      %dma_wait3A_40 = tpu.memref_slice %arg5[%dma_wait3A_38, %dma_wait3A_39] : memref<5888x1024xf32, #tpu.memory_space<hbm>> -> memref<5888x1024xf32, #tpu.memory_space<hbm>>
      tpu.wait_indirect_dma semaphore(%arg8 : memref<!tpu.dma_semaphore, #tpu.memory_space<semaphore_mem>>) src(%arg6 : memref<32x1024xf32, #tpu.memory_space<vmem>>) dst(%dma_wait3A_40 : memref<5888x1024xf32, #tpu.memory_space<hbm>>)
    } else {
    }
    %ge3A = arith.constant 16 : i32
    %ge3A_3 = arith.cmpi sge, %add3A, %ge3A : i32
    %convert_element_type3A_4 = arith.extui %ge3A_3 : i1 to i32
    %cond3A_5 = arith.constant 0 : i32
    %cond3A_6 = arith.cmpi ne, %convert_element_type3A_4, %cond3A_5 : i32
    scf.if %cond3A_6 {
      %sub3A = arith.constant 16 : i32
      %sub3A_7 = arith.subi %add3A, %sub3A : i32
      %mul3A_8 = arith.constant 4 : i32
      %mul3A_9 = arith.muli %sub3A_7, %mul3A_8 : i32
      %mul3A_10 = arith.constant 32 : i32
      %mul3A_11 = arith.muli %mul3A_9, %mul3A_10 : i32
      %add3A_12 = arith.constant 0 : i32
      %add3A_13 = arith.addi %mul3A_11, %add3A_12 : i32
      "tpu.region"() ({
        %run_scoped3A = tpu.sem_alloc : memref<!tpu.dma_semaphore, #tpu.memory_space<semaphore_mem>>
        %dma_start3A_42 = arith.constant 0 : i32
        %dma_start3A_43 = tpu.memref_slice %arg2[%add3A_13, %dma_start3A_42] : memref<2048x1024xf32, #tpu.memory_space<hbm>> -> memref<32x1024xf32, #tpu.memory_space<hbm>>
        %dma_start3A_44 = arith.constant 0 : i32
        %dma_start3A_45 = tpu.memref_slice %arg2[%add3A_13, %dma_start3A_44] : memref<2048x1024xf32, #tpu.memory_space<hbm>> -> memref<32x1024xf32, #tpu.memory_space<hbm>>
        tpu.enqueue_dma source(%dma_start3A_45 : memref<32x1024xf32, #tpu.memory_space<hbm>>) target(%arg6 : memref<32x1024xf32, #tpu.memory_space<vmem>>) target_semaphore(%run_scoped3A : memref<!tpu.dma_semaphore, #tpu.memory_space<semaphore_mem>>)
        %dma_wait3A_46 = arith.constant 0 : i32
        %dma_wait3A_47 = tpu.memref_slice %arg2[%add3A_13, %dma_wait3A_46] : memref<2048x1024xf32, #tpu.memory_space<hbm>> -> memref<32x1024xf32, #tpu.memory_space<hbm>>
        %dma_wait3A_48 = arith.constant 0 : i32
        %dma_wait3A_49 = tpu.memref_slice %arg2[%add3A_13, %dma_wait3A_48] : memref<2048x1024xf32, #tpu.memory_space<hbm>> -> memref<32x1024xf32, #tpu.memory_space<hbm>>
        tpu.wait_dma2 semaphore(%run_scoped3A : memref<!tpu.dma_semaphore, #tpu.memory_space<semaphore_mem>>) src(%dma_wait3A_49 : memref<32x1024xf32, #tpu.memory_space<hbm>>) dst(%arg6 : memref<32x1024xf32, #tpu.memory_space<vmem>>)
        tpu.yield
      }) : () -> ()
      "tpu.region"() ({
        %run_scoped3A = tpu.sem_alloc : memref<!tpu.dma_semaphore, #tpu.memory_space<semaphore_mem>>
        %dma_start3A_42 = tpu.memref_slice %arg4[%add3A_13] : memref<2048xi32, #tpu.memory_space<hbm>> -> memref<32xi32, #tpu.memory_space<hbm>>
        %dma_start3A_43 = tpu.memref_slice %arg4[%add3A_13] : memref<2048xi32, #tpu.memory_space<hbm>> -> memref<32xi32, #tpu.memory_space<hbm>>
        tpu.enqueue_dma source(%dma_start3A_43 : memref<32xi32, #tpu.memory_space<hbm>>) target(%arg7 : memref<32xi32, #tpu.memory_space<vmem>>) target_semaphore(%run_scoped3A : memref<!tpu.dma_semaphore, #tpu.memory_space<semaphore_mem>>)
        %dma_wait3A_44 = tpu.memref_slice %arg4[%add3A_13] : memref<2048xi32, #tpu.memory_space<hbm>> -> memref<32xi32, #tpu.memory_space<hbm>>
        %dma_wait3A_45 = tpu.memref_slice %arg4[%add3A_13] : memref<2048xi32, #tpu.memory_space<hbm>> -> memref<32xi32, #tpu.memory_space<hbm>>
        tpu.wait_dma2 semaphore(%run_scoped3A : memref<!tpu.dma_semaphore, #tpu.memory_space<semaphore_mem>>) src(%dma_wait3A_45 : memref<32xi32, #tpu.memory_space<hbm>>) dst(%arg7 : memref<32xi32, #tpu.memory_space<vmem>>)
        tpu.yield
      }) : () -> ()
      %dma_start3A = arith.constant 0 : i32
      %dma_start3A_14 = arith.constant 0 : i32
      %dma_start3A_15 = tpu.memref_slice %arg5[%dma_start3A, %dma_start3A_14] : memref<5888x1024xf32, #tpu.memory_space<hbm>> -> memref<5888x1024xf32, #tpu.memory_space<hbm>>
      tpu.enqueue_indirect_dma source(%arg6 : memref<32x1024xf32, #tpu.memory_space<vmem>>) target(%dma_start3A_15 : memref<5888x1024xf32, #tpu.memory_space<hbm>>) offsets(%arg7 : memref<32xi32, #tpu.memory_space<vmem>>) semaphore(%arg8 : memref<!tpu.dma_semaphore, #tpu.memory_space<semaphore_mem>>)
      %dma_wait3A = arith.constant 0 : i32
      %dma_wait3A_16 = arith.constant 0 : i32
      %dma_wait3A_17 = tpu.memref_slice %arg5[%dma_wait3A, %dma_wait3A_16] : memref<5888x1024xf32, #tpu.memory_space<hbm>> -> memref<5888x1024xf32, #tpu.memory_space<hbm>>
      tpu.wait_indirect_dma semaphore(%arg8 : memref<!tpu.dma_semaphore, #tpu.memory_space<semaphore_mem>>) src(%arg6 : memref<32x1024xf32, #tpu.memory_space<vmem>>) dst(%dma_wait3A_17 : memref<5888x1024xf32, #tpu.memory_space<hbm>>)
      %add3A_18 = arith.constant 32 : i32
      %add3A_19 = arith.addi %mul3A_11, %add3A_18 : i32
      "tpu.region"() ({
        %run_scoped3A = tpu.sem_alloc : memref<!tpu.dma_semaphore, #tpu.memory_space<semaphore_mem>>
        %dma_start3A_42 = arith.constant 0 : i32
        %dma_start3A_43 = tpu.memref_slice %arg2[%add3A_19, %dma_start3A_42] : memref<2048x1024xf32, #tpu.memory_space<hbm>> -> memref<32x1024xf32, #tpu.memory_space<hbm>>
        %dma_start3A_44 = arith.constant 0 : i32
        %dma_start3A_45 = tpu.memref_slice %arg2[%add3A_19, %dma_start3A_44] : memref<2048x1024xf32, #tpu.memory_space<hbm>> -> memref<32x1024xf32, #tpu.memory_space<hbm>>
        tpu.enqueue_dma source(%dma_start3A_45 : memref<32x1024xf32, #tpu.memory_space<hbm>>) target(%arg6 : memref<32x1024xf32, #tpu.memory_space<vmem>>) target_semaphore(%run_scoped3A : memref<!tpu.dma_semaphore, #tpu.memory_space<semaphore_mem>>)
        %dma_wait3A_46 = arith.constant 0 : i32
        %dma_wait3A_47 = tpu.memref_slice %arg2[%add3A_19, %dma_wait3A_46] : memref<2048x1024xf32, #tpu.memory_space<hbm>> -> memref<32x1024xf32, #tpu.memory_space<hbm>>
        %dma_wait3A_48 = arith.constant 0 : i32
        %dma_wait3A_49 = tpu.memref_slice %arg2[%add3A_19, %dma_wait3A_48] : memref<2048x1024xf32, #tpu.memory_space<hbm>> -> memref<32x1024xf32, #tpu.memory_space<hbm>>
        tpu.wait_dma2 semaphore(%run_scoped3A : memref<!tpu.dma_semaphore, #tpu.memory_space<semaphore_mem>>) src(%dma_wait3A_49 : memref<32x1024xf32, #tpu.memory_space<hbm>>) dst(%arg6 : memref<32x1024xf32, #tpu.memory_space<vmem>>)
        tpu.yield
      }) : () -> ()
      "tpu.region"() ({
        %run_scoped3A = tpu.sem_alloc : memref<!tpu.dma_semaphore, #tpu.memory_space<semaphore_mem>>
        %dma_start3A_42 = tpu.memref_slice %arg4[%add3A_19] : memref<2048xi32, #tpu.memory_space<hbm>> -> memref<32xi32, #tpu.memory_space<hbm>>
        %dma_start3A_43 = tpu.memref_slice %arg4[%add3A_19] : memref<2048xi32, #tpu.memory_space<hbm>> -> memref<32xi32, #tpu.memory_space<hbm>>
        tpu.enqueue_dma source(%dma_start3A_43 : memref<32xi32, #tpu.memory_space<hbm>>) target(%arg7 : memref<32xi32, #tpu.memory_space<vmem>>) target_semaphore(%run_scoped3A : memref<!tpu.dma_semaphore, #tpu.memory_space<semaphore_mem>>)
        %dma_wait3A_44 = tpu.memref_slice %arg4[%add3A_19] : memref<2048xi32, #tpu.memory_space<hbm>> -> memref<32xi32, #tpu.memory_space<hbm>>
        %dma_wait3A_45 = tpu.memref_slice %arg4[%add3A_19] : memref<2048xi32, #tpu.memory_space<hbm>> -> memref<32xi32, #tpu.memory_space<hbm>>
        tpu.wait_dma2 semaphore(%run_scoped3A : memref<!tpu.dma_semaphore, #tpu.memory_space<semaphore_mem>>) src(%dma_wait3A_45 : memref<32xi32, #tpu.memory_space<hbm>>) dst(%arg7 : memref<32xi32, #tpu.memory_space<vmem>>)
        tpu.yield
      }) : () -> ()
      %dma_start3A_20 = arith.constant 0 : i32
      %dma_start3A_21 = arith.constant 0 : i32
      %dma_start3A_22 = tpu.memref_slice %arg5[%dma_start3A_20, %dma_start3A_21] : memref<5888x1024xf32, #tpu.memory_space<hbm>> -> memref<5888x1024xf32, #tpu.memory_space<hbm>>
      tpu.enqueue_indirect_dma source(%arg6 : memref<32x1024xf32, #tpu.memory_space<vmem>>) target(%dma_start3A_22 : memref<5888x1024xf32, #tpu.memory_space<hbm>>) offsets(%arg7 : memref<32xi32, #tpu.memory_space<vmem>>) semaphore(%arg8 : memref<!tpu.dma_semaphore, #tpu.memory_space<semaphore_mem>>)
      %dma_wait3A_23 = arith.constant 0 : i32
      %dma_wait3A_24 = arith.constant 0 : i32
      %dma_wait3A_25 = tpu.memref_slice %arg5[%dma_wait3A_23, %dma_wait3A_24] : memref<5888x1024xf32, #tpu.memory_space<hbm>> -> memref<5888x1024xf32, #tpu.memory_space<hbm>>
      tpu.wait_indirect_dma semaphore(%arg8 : memref<!tpu.dma_semaphore, #tpu.memory_space<semaphore_mem>>) src(%arg6 : memref<32x1024xf32, #tpu.memory_space<vmem>>) dst(%dma_wait3A_25 : memref<5888x1024xf32, #tpu.memory_space<hbm>>)
      %add3A_26 = arith.constant 64 : i32
      %add3A_27 = arith.addi %mul3A_11, %add3A_26 : i32
      "tpu.region"() ({
        %run_scoped3A = tpu.sem_alloc : memref<!tpu.dma_semaphore, #tpu.memory_space<semaphore_mem>>
        %dma_start3A_42 = arith.constant 0 : i32
        %dma_start3A_43 = tpu.memref_slice %arg2[%add3A_27, %dma_start3A_42] : memref<2048x1024xf32, #tpu.memory_space<hbm>> -> memref<32x1024xf32, #tpu.memory_space<hbm>>
        %dma_start3A_44 = arith.constant 0 : i32
        %dma_start3A_45 = tpu.memref_slice %arg2[%add3A_27, %dma_start3A_44] : memref<2048x1024xf32, #tpu.memory_space<hbm>> -> memref<32x1024xf32, #tpu.memory_space<hbm>>
        tpu.enqueue_dma source(%dma_start3A_45 : memref<32x1024xf32, #tpu.memory_space<hbm>>) target(%arg6 : memref<32x1024xf32, #tpu.memory_space<vmem>>) target_semaphore(%run_scoped3A : memref<!tpu.dma_semaphore, #tpu.memory_space<semaphore_mem>>)
        %dma_wait3A_46 = arith.constant 0 : i32
        %dma_wait3A_47 = tpu.memref_slice %arg2[%add3A_27, %dma_wait3A_46] : memref<2048x1024xf32, #tpu.memory_space<hbm>> -> memref<32x1024xf32, #tpu.memory_space<hbm>>
        %dma_wait3A_48 = arith.constant 0 : i32
        %dma_wait3A_49 = tpu.memref_slice %arg2[%add3A_27, %dma_wait3A_48] : memref<2048x1024xf32, #tpu.memory_space<hbm>> -> memref<32x1024xf32, #tpu.memory_space<hbm>>
        tpu.wait_dma2 semaphore(%run_scoped3A : memref<!tpu.dma_semaphore, #tpu.memory_space<semaphore_mem>>) src(%dma_wait3A_49 : memref<32x1024xf32, #tpu.memory_space<hbm>>) dst(%arg6 : memref<32x1024xf32, #tpu.memory_space<vmem>>)
        tpu.yield
      }) : () -> ()
      "tpu.region"() ({
        %run_scoped3A = tpu.sem_alloc : memref<!tpu.dma_semaphore, #tpu.memory_space<semaphore_mem>>
        %dma_start3A_42 = tpu.memref_slice %arg4[%add3A_27] : memref<2048xi32, #tpu.memory_space<hbm>> -> memref<32xi32, #tpu.memory_space<hbm>>
        %dma_start3A_43 = tpu.memref_slice %arg4[%add3A_27] : memref<2048xi32, #tpu.memory_space<hbm>> -> memref<32xi32, #tpu.memory_space<hbm>>
        tpu.enqueue_dma source(%dma_start3A_43 : memref<32xi32, #tpu.memory_space<hbm>>) target(%arg7 : memref<32xi32, #tpu.memory_space<vmem>>) target_semaphore(%run_scoped3A : memref<!tpu.dma_semaphore, #tpu.memory_space<semaphore_mem>>)
        %dma_wait3A_44 = tpu.memref_slice %arg4[%add3A_27] : memref<2048xi32, #tpu.memory_space<hbm>> -> memref<32xi32, #tpu.memory_space<hbm>>
        %dma_wait3A_45 = tpu.memref_slice %arg4[%add3A_27] : memref<2048xi32, #tpu.memory_space<hbm>> -> memref<32xi32, #tpu.memory_space<hbm>>
        tpu.wait_dma2 semaphore(%run_scoped3A : memref<!tpu.dma_semaphore, #tpu.memory_space<semaphore_mem>>) src(%dma_wait3A_45 : memref<32xi32, #tpu.memory_space<hbm>>) dst(%arg7 : memref<32xi32, #tpu.memory_space<vmem>>)
        tpu.yield
      }) : () -> ()
      %dma_start3A_28 = arith.constant 0 : i32
      %dma_start3A_29 = arith.constant 0 : i32
      %dma_start3A_30 = tpu.memref_slice %arg5[%dma_start3A_28, %dma_start3A_29] : memref<5888x1024xf32, #tpu.memory_space<hbm>> -> memref<5888x1024xf32, #tpu.memory_space<hbm>>
      tpu.enqueue_indirect_dma source(%arg6 : memref<32x1024xf32, #tpu.memory_space<vmem>>) target(%dma_start3A_30 : memref<5888x1024xf32, #tpu.memory_space<hbm>>) offsets(%arg7 : memref<32xi32, #tpu.memory_space<vmem>>) semaphore(%arg8 : memref<!tpu.dma_semaphore, #tpu.memory_space<semaphore_mem>>)
      %dma_wait3A_31 = arith.constant 0 : i32
      %dma_wait3A_32 = arith.constant 0 : i32
      %dma_wait3A_33 = tpu.memref_slice %arg5[%dma_wait3A_31, %dma_wait3A_32] : memref<5888x1024xf32, #tpu.memory_space<hbm>> -> memref<5888x1024xf32, #tpu.memory_space<hbm>>
      tpu.wait_indirect_dma semaphore(%arg8 : memref<!tpu.dma_semaphore, #tpu.memory_space<semaphore_mem>>) src(%arg6 : memref<32x1024xf32, #tpu.memory_space<vmem>>) dst(%dma_wait3A_33 : memref<5888x1024xf32, #tpu.memory_space<hbm>>)
      %add3A_34 = arith.constant 96 : i32
      %add3A_35 = arith.addi %mul3A_11, %add3A_34 : i32
      "tpu.region"() ({
        %run_scoped3A = tpu.sem_alloc : memref<!tpu.dma_semaphore, #tpu.memory_space<semaphore_mem>>
        %dma_start3A_42 = arith.constant 0 : i32
        %dma_start3A_43 = tpu.memref_slice %arg2[%add3A_35, %dma_start3A_42] : memref<2048x1024xf32, #tpu.memory_space<hbm>> -> memref<32x1024xf32, #tpu.memory_space<hbm>>
        %dma_start3A_44 = arith.constant 0 : i32
        %dma_start3A_45 = tpu.memref_slice %arg2[%add3A_35, %dma_start3A_44] : memref<2048x1024xf32, #tpu.memory_space<hbm>> -> memref<32x1024xf32, #tpu.memory_space<hbm>>
        tpu.enqueue_dma source(%dma_start3A_45 : memref<32x1024xf32, #tpu.memory_space<hbm>>) target(%arg6 : memref<32x1024xf32, #tpu.memory_space<vmem>>) target_semaphore(%run_scoped3A : memref<!tpu.dma_semaphore, #tpu.memory_space<semaphore_mem>>)
        %dma_wait3A_46 = arith.constant 0 : i32
        %dma_wait3A_47 = tpu.memref_slice %arg2[%add3A_35, %dma_wait3A_46] : memref<2048x1024xf32, #tpu.memory_space<hbm>> -> memref<32x1024xf32, #tpu.memory_space<hbm>>
        %dma_wait3A_48 = arith.constant 0 : i32
        %dma_wait3A_49 = tpu.memref_slice %arg2[%add3A_35, %dma_wait3A_48] : memref<2048x1024xf32, #tpu.memory_space<hbm>> -> memref<32x1024xf32, #tpu.memory_space<hbm>>
        tpu.wait_dma2 semaphore(%run_scoped3A : memref<!tpu.dma_semaphore, #tpu.memory_space<semaphore_mem>>) src(%dma_wait3A_49 : memref<32x1024xf32, #tpu.memory_space<hbm>>) dst(%arg6 : memref<32x1024xf32, #tpu.memory_space<vmem>>)
        tpu.yield
      }) : () -> ()
      "tpu.region"() ({
        %run_scoped3A = tpu.sem_alloc : memref<!tpu.dma_semaphore, #tpu.memory_space<semaphore_mem>>
        %dma_start3A_42 = tpu.memref_slice %arg4[%add3A_35] : memref<2048xi32, #tpu.memory_space<hbm>> -> memref<32xi32, #tpu.memory_space<hbm>>
        %dma_start3A_43 = tpu.memref_slice %arg4[%add3A_35] : memref<2048xi32, #tpu.memory_space<hbm>> -> memref<32xi32, #tpu.memory_space<hbm>>
        tpu.enqueue_dma source(%dma_start3A_43 : memref<32xi32, #tpu.memory_space<hbm>>) target(%arg7 : memref<32xi32, #tpu.memory_space<vmem>>) target_semaphore(%run_scoped3A : memref<!tpu.dma_semaphore, #tpu.memory_space<semaphore_mem>>)
        %dma_wait3A_44 = tpu.memref_slice %arg4[%add3A_35] : memref<2048xi32, #tpu.memory_space<hbm>> -> memref<32xi32, #tpu.memory_space<hbm>>
        %dma_wait3A_45 = tpu.memref_slice %arg4[%add3A_35] : memref<2048xi32, #tpu.memory_space<hbm>> -> memref<32xi32, #tpu.memory_space<hbm>>
        tpu.wait_dma2 semaphore(%run_scoped3A : memref<!tpu.dma_semaphore, #tpu.memory_space<semaphore_mem>>) src(%dma_wait3A_45 : memref<32xi32, #tpu.memory_space<hbm>>) dst(%arg7 : memref<32xi32, #tpu.memory_space<vmem>>)
        tpu.yield
      }) : () -> ()
      %dma_start3A_36 = arith.constant 0 : i32
      %dma_start3A_37 = arith.constant 0 : i32
      %dma_start3A_38 = tpu.memref_slice %arg5[%dma_start3A_36, %dma_start3A_37] : memref<5888x1024xf32, #tpu.memory_space<hbm>> -> memref<5888x1024xf32, #tpu.memory_space<hbm>>
      tpu.enqueue_indirect_dma source(%arg6 : memref<32x1024xf32, #tpu.memory_space<vmem>>) target(%dma_start3A_38 : memref<5888x1024xf32, #tpu.memory_space<hbm>>) offsets(%arg7 : memref<32xi32, #tpu.memory_space<vmem>>) semaphore(%arg8 : memref<!tpu.dma_semaphore, #tpu.memory_space<semaphore_mem>>)
      %dma_wait3A_39 = arith.constant 0 : i32
      %dma_wait3A_40 = arith.constant 0 : i32
      %dma_wait3A_41 = tpu.memref_slice %arg5[%dma_wait3A_39, %dma_wait3A_40] : memref<5888x1024xf32, #tpu.memory_space<hbm>> -> memref<5888x1024xf32, #tpu.memory_space<hbm>>
      tpu.wait_indirect_dma semaphore(%arg8 : memref<!tpu.dma_semaphore, #tpu.memory_space<semaphore_mem>>) src(%arg6 : memref<32x1024xf32, #tpu.memory_space<vmem>>) dst(%dma_wait3A_41 : memref<5888x1024xf32, #tpu.memory_space<hbm>>)
    } else {
    }
    return
  }
}

#map = affine_map<(d0, d1) -> (0, 0)>
#map1 = affine_map<(d0, d1) -> (0)>
module attributes {stable_mosaic.version = 14 : i64} {
  func.func @_sc_gather_body(%arg0: i32, %arg1: i32, %arg2: memref<5888x1024xf32, #tpu.memory_space<hbm>>, %arg3: memref<2048xi32, #tpu.memory_space<hbm>>, %arg4: memref<2048xi32, #tpu.memory_space<hbm>>, %arg5: memref<2048x1024xf32, #tpu.memory_space<hbm>>, %arg6: memref<2048x1024xf32, #tpu.memory_space<hbm>>, %arg7: memref<32x1024xf32, #tpu.memory_space<vmem>>, %arg8: memref<32xi32, #tpu.memory_space<vmem>>, %arg9: memref<!tpu.dma_semaphore, #tpu.memory_space<semaphore_mem>>) attributes {dimension_semantics = [#tpu.dimension_semantics<core_parallel>, #tpu.dimension_semantics<subcore_parallel>], iteration_bounds = array<i64: 2, 16>, scalar_prefetch = 0 : i64, scratch_operands = 3 : i64, tpu.core_type = #tpu.core_type<sc_vector_subcore>, window_params = [{transform_indices = #map}, {transform_indices = #map1}, {transform_indices = #map1}, {transform_indices = #map}, {transform_indices = #map}]} {
    %mul3A = arith.constant 2 : i32
    %mul3A_0 = arith.muli %arg1, %mul3A : i32
    %add3A = arith.addi %mul3A_0, %arg0 : i32
    %mul3A_1 = arith.constant 2 : i32
    %mul3A_2 = arith.muli %add3A, %mul3A_1 : i32
    %mul3A_3 = arith.constant 32 : i32
    %mul3A_4 = arith.muli %mul3A_2, %mul3A_3 : i32
    %add3A_5 = arith.constant 0 : i32
    %add3A_6 = arith.addi %mul3A_4, %add3A_5 : i32
    "tpu.region"() ({
      %run_scoped3A = tpu.sem_alloc : memref<!tpu.dma_semaphore, #tpu.memory_space<semaphore_mem>>
      %dma_start3A_31 = tpu.memref_slice %arg3[%add3A_6] : memref<2048xi32, #tpu.memory_space<hbm>> -> memref<32xi32, #tpu.memory_space<hbm>>
      %dma_start3A_32 = tpu.memref_slice %arg3[%add3A_6] : memref<2048xi32, #tpu.memory_space<hbm>> -> memref<32xi32, #tpu.memory_space<hbm>>
      tpu.enqueue_dma source(%dma_start3A_32 : memref<32xi32, #tpu.memory_space<hbm>>) target(%arg8 : memref<32xi32, #tpu.memory_space<vmem>>) target_semaphore(%run_scoped3A : memref<!tpu.dma_semaphore, #tpu.memory_space<semaphore_mem>>)
      %dma_wait3A_33 = tpu.memref_slice %arg3[%add3A_6] : memref<2048xi32, #tpu.memory_space<hbm>> -> memref<32xi32, #tpu.memory_space<hbm>>
      %dma_wait3A_34 = tpu.memref_slice %arg3[%add3A_6] : memref<2048xi32, #tpu.memory_space<hbm>> -> memref<32xi32, #tpu.memory_space<hbm>>
      tpu.wait_dma2 semaphore(%run_scoped3A : memref<!tpu.dma_semaphore, #tpu.memory_space<semaphore_mem>>) src(%dma_wait3A_34 : memref<32xi32, #tpu.memory_space<hbm>>) dst(%arg8 : memref<32xi32, #tpu.memory_space<vmem>>)
      tpu.yield
    }) : () -> ()
    %dma_start3A = arith.constant 0 : i32
    %dma_start3A_7 = arith.constant 0 : i32
    %dma_start3A_8 = tpu.memref_slice %arg2[%dma_start3A, %dma_start3A_7] : memref<5888x1024xf32, #tpu.memory_space<hbm>> -> memref<5888x1024xf32, #tpu.memory_space<hbm>>
    tpu.enqueue_indirect_dma source(%dma_start3A_8 : memref<5888x1024xf32, #tpu.memory_space<hbm>>) target(%arg7 : memref<32x1024xf32, #tpu.memory_space<vmem>>) offsets(%arg8 : memref<32xi32, #tpu.memory_space<vmem>>) semaphore(%arg9 : memref<!tpu.dma_semaphore, #tpu.memory_space<semaphore_mem>>)
    %dma_wait3A = arith.constant 0 : i32
    %dma_wait3A_9 = arith.constant 0 : i32
    %dma_wait3A_10 = tpu.memref_slice %arg2[%dma_wait3A, %dma_wait3A_9] : memref<5888x1024xf32, #tpu.memory_space<hbm>> -> memref<5888x1024xf32, #tpu.memory_space<hbm>>
    tpu.wait_indirect_dma semaphore(%arg9 : memref<!tpu.dma_semaphore, #tpu.memory_space<semaphore_mem>>) src(%dma_wait3A_10 : memref<5888x1024xf32, #tpu.memory_space<hbm>>) dst(%arg7 : memref<32x1024xf32, #tpu.memory_space<vmem>>)
    "tpu.region"() ({
      %run_scoped3A = tpu.sem_alloc : memref<!tpu.dma_semaphore, #tpu.memory_space<semaphore_mem>>
      %dma_start3A_31 = arith.constant 0 : i32
      %dma_start3A_32 = tpu.memref_slice %arg5[%add3A_6, %dma_start3A_31] : memref<2048x1024xf32, #tpu.memory_space<hbm>> -> memref<32x1024xf32, #tpu.memory_space<hbm>>
      %dma_start3A_33 = arith.constant 0 : i32
      %dma_start3A_34 = tpu.memref_slice %arg5[%add3A_6, %dma_start3A_33] : memref<2048x1024xf32, #tpu.memory_space<hbm>> -> memref<32x1024xf32, #tpu.memory_space<hbm>>
      tpu.enqueue_dma source(%arg7 : memref<32x1024xf32, #tpu.memory_space<vmem>>) target(%dma_start3A_34 : memref<32x1024xf32, #tpu.memory_space<hbm>>) target_semaphore(%run_scoped3A : memref<!tpu.dma_semaphore, #tpu.memory_space<semaphore_mem>>)
      %dma_wait3A_35 = arith.constant 0 : i32
      %dma_wait3A_36 = tpu.memref_slice %arg5[%add3A_6, %dma_wait3A_35] : memref<2048x1024xf32, #tpu.memory_space<hbm>> -> memref<32x1024xf32, #tpu.memory_space<hbm>>
      %dma_wait3A_37 = arith.constant 0 : i32
      %dma_wait3A_38 = tpu.memref_slice %arg5[%add3A_6, %dma_wait3A_37] : memref<2048x1024xf32, #tpu.memory_space<hbm>> -> memref<32x1024xf32, #tpu.memory_space<hbm>>
      tpu.wait_dma2 semaphore(%run_scoped3A : memref<!tpu.dma_semaphore, #tpu.memory_space<semaphore_mem>>) src(%arg7 : memref<32x1024xf32, #tpu.memory_space<vmem>>) dst(%dma_wait3A_38 : memref<32x1024xf32, #tpu.memory_space<hbm>>)
      tpu.yield
    }) : () -> ()
    "tpu.region"() ({
      %run_scoped3A = tpu.sem_alloc : memref<!tpu.dma_semaphore, #tpu.memory_space<semaphore_mem>>
      %dma_start3A_31 = tpu.memref_slice %arg4[%add3A_6] : memref<2048xi32, #tpu.memory_space<hbm>> -> memref<32xi32, #tpu.memory_space<hbm>>
      %dma_start3A_32 = tpu.memref_slice %arg4[%add3A_6] : memref<2048xi32, #tpu.memory_space<hbm>> -> memref<32xi32, #tpu.memory_space<hbm>>
      tpu.enqueue_dma source(%dma_start3A_32 : memref<32xi32, #tpu.memory_space<hbm>>) target(%arg8 : memref<32xi32, #tpu.memory_space<vmem>>) target_semaphore(%run_scoped3A : memref<!tpu.dma_semaphore, #tpu.memory_space<semaphore_mem>>)
      %dma_wait3A_33 = tpu.memref_slice %arg4[%add3A_6] : memref<2048xi32, #tpu.memory_space<hbm>> -> memref<32xi32, #tpu.memory_space<hbm>>
      %dma_wait3A_34 = tpu.memref_slice %arg4[%add3A_6] : memref<2048xi32, #tpu.memory_space<hbm>> -> memref<32xi32, #tpu.memory_space<hbm>>
      tpu.wait_dma2 semaphore(%run_scoped3A : memref<!tpu.dma_semaphore, #tpu.memory_space<semaphore_mem>>) src(%dma_wait3A_34 : memref<32xi32, #tpu.memory_space<hbm>>) dst(%arg8 : memref<32xi32, #tpu.memory_space<vmem>>)
      tpu.yield
    }) : () -> ()
    %dma_start3A_11 = arith.constant 0 : i32
    %dma_start3A_12 = arith.constant 0 : i32
    %dma_start3A_13 = tpu.memref_slice %arg2[%dma_start3A_11, %dma_start3A_12] : memref<5888x1024xf32, #tpu.memory_space<hbm>> -> memref<5888x1024xf32, #tpu.memory_space<hbm>>
    tpu.enqueue_indirect_dma source(%dma_start3A_13 : memref<5888x1024xf32, #tpu.memory_space<hbm>>) target(%arg7 : memref<32x1024xf32, #tpu.memory_space<vmem>>) offsets(%arg8 : memref<32xi32, #tpu.memory_space<vmem>>) semaphore(%arg9 : memref<!tpu.dma_semaphore, #tpu.memory_space<semaphore_mem>>)
    %dma_wait3A_14 = arith.constant 0 : i32
    %dma_wait3A_15 = arith.constant 0 : i32
    %dma_wait3A_16 = tpu.memref_slice %arg2[%dma_wait3A_14, %dma_wait3A_15] : memref<5888x1024xf32, #tpu.memory_space<hbm>> -> memref<5888x1024xf32, #tpu.memory_space<hbm>>
    tpu.wait_indirect_dma semaphore(%arg9 : memref<!tpu.dma_semaphore, #tpu.memory_space<semaphore_mem>>) src(%dma_wait3A_16 : memref<5888x1024xf32, #tpu.memory_space<hbm>>) dst(%arg7 : memref<32x1024xf32, #tpu.memory_space<vmem>>)
    "tpu.region"() ({
      %run_scoped3A = tpu.sem_alloc : memref<!tpu.dma_semaphore, #tpu.memory_space<semaphore_mem>>
      %dma_start3A_31 = arith.constant 0 : i32
      %dma_start3A_32 = tpu.memref_slice %arg6[%add3A_6, %dma_start3A_31] : memref<2048x1024xf32, #tpu.memory_space<hbm>> -> memref<32x1024xf32, #tpu.memory_space<hbm>>
      %dma_start3A_33 = arith.constant 0 : i32
      %dma_start3A_34 = tpu.memref_slice %arg6[%add3A_6, %dma_start3A_33] : memref<2048x1024xf32, #tpu.memory_space<hbm>> -> memref<32x1024xf32, #tpu.memory_space<hbm>>
      tpu.enqueue_dma source(%arg7 : memref<32x1024xf32, #tpu.memory_space<vmem>>) target(%dma_start3A_34 : memref<32x1024xf32, #tpu.memory_space<hbm>>) target_semaphore(%run_scoped3A : memref<!tpu.dma_semaphore, #tpu.memory_space<semaphore_mem>>)
      %dma_wait3A_35 = arith.constant 0 : i32
      %dma_wait3A_36 = tpu.memref_slice %arg6[%add3A_6, %dma_wait3A_35] : memref<2048x1024xf32, #tpu.memory_space<hbm>> -> memref<32x1024xf32, #tpu.memory_space<hbm>>
      %dma_wait3A_37 = arith.constant 0 : i32
      %dma_wait3A_38 = tpu.memref_slice %arg6[%add3A_6, %dma_wait3A_37] : memref<2048x1024xf32, #tpu.memory_space<hbm>> -> memref<32x1024xf32, #tpu.memory_space<hbm>>
      tpu.wait_dma2 semaphore(%run_scoped3A : memref<!tpu.dma_semaphore, #tpu.memory_space<semaphore_mem>>) src(%arg7 : memref<32x1024xf32, #tpu.memory_space<vmem>>) dst(%dma_wait3A_38 : memref<32x1024xf32, #tpu.memory_space<hbm>>)
      tpu.yield
    }) : () -> ()
    %add3A_17 = arith.constant 32 : i32
    %add3A_18 = arith.addi %mul3A_4, %add3A_17 : i32
    "tpu.region"() ({
      %run_scoped3A = tpu.sem_alloc : memref<!tpu.dma_semaphore, #tpu.memory_space<semaphore_mem>>
      %dma_start3A_31 = tpu.memref_slice %arg3[%add3A_18] : memref<2048xi32, #tpu.memory_space<hbm>> -> memref<32xi32, #tpu.memory_space<hbm>>
      %dma_start3A_32 = tpu.memref_slice %arg3[%add3A_18] : memref<2048xi32, #tpu.memory_space<hbm>> -> memref<32xi32, #tpu.memory_space<hbm>>
      tpu.enqueue_dma source(%dma_start3A_32 : memref<32xi32, #tpu.memory_space<hbm>>) target(%arg8 : memref<32xi32, #tpu.memory_space<vmem>>) target_semaphore(%run_scoped3A : memref<!tpu.dma_semaphore, #tpu.memory_space<semaphore_mem>>)
      %dma_wait3A_33 = tpu.memref_slice %arg3[%add3A_18] : memref<2048xi32, #tpu.memory_space<hbm>> -> memref<32xi32, #tpu.memory_space<hbm>>
      %dma_wait3A_34 = tpu.memref_slice %arg3[%add3A_18] : memref<2048xi32, #tpu.memory_space<hbm>> -> memref<32xi32, #tpu.memory_space<hbm>>
      tpu.wait_dma2 semaphore(%run_scoped3A : memref<!tpu.dma_semaphore, #tpu.memory_space<semaphore_mem>>) src(%dma_wait3A_34 : memref<32xi32, #tpu.memory_space<hbm>>) dst(%arg8 : memref<32xi32, #tpu.memory_space<vmem>>)
      tpu.yield
    }) : () -> ()
    %dma_start3A_19 = arith.constant 0 : i32
    %dma_start3A_20 = arith.constant 0 : i32
    %dma_start3A_21 = tpu.memref_slice %arg2[%dma_start3A_19, %dma_start3A_20] : memref<5888x1024xf32, #tpu.memory_space<hbm>> -> memref<5888x1024xf32, #tpu.memory_space<hbm>>
    tpu.enqueue_indirect_dma source(%dma_start3A_21 : memref<5888x1024xf32, #tpu.memory_space<hbm>>) target(%arg7 : memref<32x1024xf32, #tpu.memory_space<vmem>>) offsets(%arg8 : memref<32xi32, #tpu.memory_space<vmem>>) semaphore(%arg9 : memref<!tpu.dma_semaphore, #tpu.memory_space<semaphore_mem>>)
    %dma_wait3A_22 = arith.constant 0 : i32
    %dma_wait3A_23 = arith.constant 0 : i32
    %dma_wait3A_24 = tpu.memref_slice %arg2[%dma_wait3A_22, %dma_wait3A_23] : memref<5888x1024xf32, #tpu.memory_space<hbm>> -> memref<5888x1024xf32, #tpu.memory_space<hbm>>
    tpu.wait_indirect_dma semaphore(%arg9 : memref<!tpu.dma_semaphore, #tpu.memory_space<semaphore_mem>>) src(%dma_wait3A_24 : memref<5888x1024xf32, #tpu.memory_space<hbm>>) dst(%arg7 : memref<32x1024xf32, #tpu.memory_space<vmem>>)
    "tpu.region"() ({
      %run_scoped3A = tpu.sem_alloc : memref<!tpu.dma_semaphore, #tpu.memory_space<semaphore_mem>>
      %dma_start3A_31 = arith.constant 0 : i32
      %dma_start3A_32 = tpu.memref_slice %arg5[%add3A_18, %dma_start3A_31] : memref<2048x1024xf32, #tpu.memory_space<hbm>> -> memref<32x1024xf32, #tpu.memory_space<hbm>>
      %dma_start3A_33 = arith.constant 0 : i32
      %dma_start3A_34 = tpu.memref_slice %arg5[%add3A_18, %dma_start3A_33] : memref<2048x1024xf32, #tpu.memory_space<hbm>> -> memref<32x1024xf32, #tpu.memory_space<hbm>>
      tpu.enqueue_dma source(%arg7 : memref<32x1024xf32, #tpu.memory_space<vmem>>) target(%dma_start3A_34 : memref<32x1024xf32, #tpu.memory_space<hbm>>) target_semaphore(%run_scoped3A : memref<!tpu.dma_semaphore, #tpu.memory_space<semaphore_mem>>)
      %dma_wait3A_35 = arith.constant 0 : i32
      %dma_wait3A_36 = tpu.memref_slice %arg5[%add3A_18, %dma_wait3A_35] : memref<2048x1024xf32, #tpu.memory_space<hbm>> -> memref<32x1024xf32, #tpu.memory_space<hbm>>
      %dma_wait3A_37 = arith.constant 0 : i32
      %dma_wait3A_38 = tpu.memref_slice %arg5[%add3A_18, %dma_wait3A_37] : memref<2048x1024xf32, #tpu.memory_space<hbm>> -> memref<32x1024xf32, #tpu.memory_space<hbm>>
      tpu.wait_dma2 semaphore(%run_scoped3A : memref<!tpu.dma_semaphore, #tpu.memory_space<semaphore_mem>>) src(%arg7 : memref<32x1024xf32, #tpu.memory_space<vmem>>) dst(%dma_wait3A_38 : memref<32x1024xf32, #tpu.memory_space<hbm>>)
      tpu.yield
    }) : () -> ()
    "tpu.region"() ({
      %run_scoped3A = tpu.sem_alloc : memref<!tpu.dma_semaphore, #tpu.memory_space<semaphore_mem>>
      %dma_start3A_31 = tpu.memref_slice %arg4[%add3A_18] : memref<2048xi32, #tpu.memory_space<hbm>> -> memref<32xi32, #tpu.memory_space<hbm>>
      %dma_start3A_32 = tpu.memref_slice %arg4[%add3A_18] : memref<2048xi32, #tpu.memory_space<hbm>> -> memref<32xi32, #tpu.memory_space<hbm>>
      tpu.enqueue_dma source(%dma_start3A_32 : memref<32xi32, #tpu.memory_space<hbm>>) target(%arg8 : memref<32xi32, #tpu.memory_space<vmem>>) target_semaphore(%run_scoped3A : memref<!tpu.dma_semaphore, #tpu.memory_space<semaphore_mem>>)
      %dma_wait3A_33 = tpu.memref_slice %arg4[%add3A_18] : memref<2048xi32, #tpu.memory_space<hbm>> -> memref<32xi32, #tpu.memory_space<hbm>>
      %dma_wait3A_34 = tpu.memref_slice %arg4[%add3A_18] : memref<2048xi32, #tpu.memory_space<hbm>> -> memref<32xi32, #tpu.memory_space<hbm>>
      tpu.wait_dma2 semaphore(%run_scoped3A : memref<!tpu.dma_semaphore, #tpu.memory_space<semaphore_mem>>) src(%dma_wait3A_34 : memref<32xi32, #tpu.memory_space<hbm>>) dst(%arg8 : memref<32xi32, #tpu.memory_space<vmem>>)
      tpu.yield
    }) : () -> ()
    %dma_start3A_25 = arith.constant 0 : i32
    %dma_start3A_26 = arith.constant 0 : i32
    %dma_start3A_27 = tpu.memref_slice %arg2[%dma_start3A_25, %dma_start3A_26] : memref<5888x1024xf32, #tpu.memory_space<hbm>> -> memref<5888x1024xf32, #tpu.memory_space<hbm>>
    tpu.enqueue_indirect_dma source(%dma_start3A_27 : memref<5888x1024xf32, #tpu.memory_space<hbm>>) target(%arg7 : memref<32x1024xf32, #tpu.memory_space<vmem>>) offsets(%arg8 : memref<32xi32, #tpu.memory_space<vmem>>) semaphore(%arg9 : memref<!tpu.dma_semaphore, #tpu.memory_space<semaphore_mem>>)
    %dma_wait3A_28 = arith.constant 0 : i32
    %dma_wait3A_29 = arith.constant 0 : i32
    %dma_wait3A_30 = tpu.memref_slice %arg2[%dma_wait3A_28, %dma_wait3A_29] : memref<5888x1024xf32, #tpu.memory_space<hbm>> -> memref<5888x1024xf32, #tpu.memory_space<hbm>>
    tpu.wait_indirect_dma semaphore(%arg9 : memref<!tpu.dma_semaphore, #tpu.memory_space<semaphore_mem>>) src(%dma_wait3A_30 : memref<5888x1024xf32, #tpu.memory_space<hbm>>) dst(%arg7 : memref<32x1024xf32, #tpu.memory_space<vmem>>)
    "tpu.region"() ({
      %run_scoped3A = tpu.sem_alloc : memref<!tpu.dma_semaphore, #tpu.memory_space<semaphore_mem>>
      %dma_start3A_31 = arith.constant 0 : i32
      %dma_start3A_32 = tpu.memref_slice %arg6[%add3A_18, %dma_start3A_31] : memref<2048x1024xf32, #tpu.memory_space<hbm>> -> memref<32x1024xf32, #tpu.memory_space<hbm>>
      %dma_start3A_33 = arith.constant 0 : i32
      %dma_start3A_34 = tpu.memref_slice %arg6[%add3A_18, %dma_start3A_33] : memref<2048x1024xf32, #tpu.memory_space<hbm>> -> memref<32x1024xf32, #tpu.memory_space<hbm>>
      tpu.enqueue_dma source(%arg7 : memref<32x1024xf32, #tpu.memory_space<vmem>>) target(%dma_start3A_34 : memref<32x1024xf32, #tpu.memory_space<hbm>>) target_semaphore(%run_scoped3A : memref<!tpu.dma_semaphore, #tpu.memory_space<semaphore_mem>>)
      %dma_wait3A_35 = arith.constant 0 : i32
      %dma_wait3A_36 = tpu.memref_slice %arg6[%add3A_18, %dma_wait3A_35] : memref<2048x1024xf32, #tpu.memory_space<hbm>> -> memref<32x1024xf32, #tpu.memory_space<hbm>>
      %dma_wait3A_37 = arith.constant 0 : i32
      %dma_wait3A_38 = tpu.memref_slice %arg6[%add3A_18, %dma_wait3A_37] : memref<2048x1024xf32, #tpu.memory_space<hbm>> -> memref<32x1024xf32, #tpu.memory_space<hbm>>
      tpu.wait_dma2 semaphore(%run_scoped3A : memref<!tpu.dma_semaphore, #tpu.memory_space<semaphore_mem>>) src(%arg7 : memref<32x1024xf32, #tpu.memory_space<vmem>>) dst(%dma_wait3A_38 : memref<32x1024xf32, #tpu.memory_space<hbm>>)
      tpu.yield
    }) : () -> ()
    return
  }
}

module attributes {stable_mosaic.version = 14 : i64} {
  func.func @_router_body(%arg0: memref<2048x1024xf32, #tpu.memory_space<vmem>>, %arg1: memref<8x1024xf32, #tpu.memory_space<vmem>>, %arg2: memref<2048x8xf32, #tpu.memory_space<vmem>>, %arg3: memref<2048x1xi32, #tpu.memory_space<vmem>>, %arg4: memref<2048x1xi32, #tpu.memory_space<vmem>>, %arg5: memref<2048x1xf32, #tpu.memory_space<vmem>>, %arg6: memref<2048x1xf32, #tpu.memory_space<vmem>>, %arg7: memref<1x128xi32, #tpu.memory_space<vmem>>, %arg8: memref<1x1xi32, #tpu.memory_space<vmem>>) attributes {dimension_semantics = [], scalar_prefetch = 0 : i64, scratch_operands = 0 : i64, tpu.core_type = #tpu.core_type<tc>} {
    %get3A = arith.constant 0 : index
    %get3A_0 = arith.constant 0 : index
    %get3A_1 = vector.load %arg0[%get3A, %get3A_0] : memref<2048x1024xf32, #tpu.memory_space<vmem>>, vector<2048x1024xf32>
    %get3A_2 = arith.constant 0 : index
    %get3A_3 = arith.constant 0 : index
    %get3A_4 = vector.load %arg1[%get3A_2, %get3A_3] : memref<8x1024xf32, #tpu.memory_space<vmem>>, vector<8x1024xf32>
    %transpose3A = tpu.transpose %get3A_4, [1, 0] : vector<8x1024xf32> -> vector<1024x8xf32>
    %dot_general3A = arith.constant dense<0.000000e+00> : vector<2048x8xf32>
    %dot_general3A_5 = tpu.matmul %get3A_1, %transpose3A, %dot_general3A {dimension_numbers = #tpu.dot_dimension_numbers<[1], [0], [0], [1], [0, 0, 1, 1], [], []>, transpose_lhs_hint = false} : vector<2048x1024xf32>, vector<1024x8xf32>, vector<2048x8xf32> -> vector<2048x8xf32>
    %iota3A = tpu.iota {dimensions = array<i32: 1>} : vector<2048x8xi32>
    %reduce_max3A = arith.constant dense<0xFF800000> : vector<2048xf32>
    %reduce_max3A_6 = vector.multi_reduction <maximumf>, %dot_general3A_5, %reduce_max3A [1] : vector<2048x8xf32> to vector<2048xf32>
    %broadcast_in_dim3A = vector.shape_cast %reduce_max3A_6 : vector<2048xf32> to vector<2048x1xf32>
    %eq3A = vector.broadcast %broadcast_in_dim3A : vector<2048x1xf32> to vector<2048x8xf32>
    %eq3A_7 = arith.cmpf oeq, %dot_general3A_5, %eq3A : vector<2048x8xf32>
    %jit3A = arith.constant 8 : i32
    %broadcast_in_dim3A_8 = vector.broadcast %jit3A : i32 to vector<2048x8xi32>
    %select_n3A = arith.select %eq3A_7, %iota3A, %broadcast_in_dim3A_8 : vector<2048x8xi1>, vector<2048x8xi32>
    %reduce_min3A = arith.constant dense<2147483647> : vector<2048xi32>
    %reduce_min3A_9 = vector.multi_reduction <minsi>, %select_n3A, %reduce_min3A [1] : vector<2048x8xi32> to vector<2048xi32>
    %broadcast_in_dim3A_10 = vector.shape_cast %reduce_min3A_9 : vector<2048xi32> to vector<2048x1xi32>
    %eq3A_11 = vector.broadcast %broadcast_in_dim3A_10 : vector<2048x1xi32> to vector<2048x8xi32>
    %eq3A_12 = arith.cmpi eq, %iota3A, %eq3A_11 : vector<2048x8xi32>
    %jit3A_13 = arith.constant 0xFF800000 : f32
    %broadcast_in_dim3A_14 = vector.broadcast %jit3A_13 : f32 to vector<2048x8xf32>
    %select_n3A_15 = arith.select %eq3A_12, %broadcast_in_dim3A_14, %dot_general3A_5 : vector<2048x8xi1>, vector<2048x8xf32>
    %reduce_max3A_16 = arith.constant dense<0xFF800000> : vector<2048xf32>
    %reduce_max3A_17 = vector.multi_reduction <maximumf>, %select_n3A_15, %reduce_max3A_16 [1] : vector<2048x8xf32> to vector<2048xf32>
    %broadcast_in_dim3A_18 = vector.shape_cast %reduce_max3A_17 : vector<2048xf32> to vector<2048x1xf32>
    %eq3A_19 = vector.broadcast %broadcast_in_dim3A_18 : vector<2048x1xf32> to vector<2048x8xf32>
    %eq3A_20 = arith.cmpf oeq, %select_n3A_15, %eq3A_19 : vector<2048x8xf32>
    %jit3A_21 = arith.constant 8 : i32
    %broadcast_in_dim3A_22 = vector.broadcast %jit3A_21 : i32 to vector<2048x8xi32>
    %select_n3A_23 = arith.select %eq3A_20, %iota3A, %broadcast_in_dim3A_22 : vector<2048x8xi1>, vector<2048x8xi32>
    %reduce_min3A_24 = arith.constant dense<2147483647> : vector<2048xi32>
    %reduce_min3A_25 = vector.multi_reduction <minsi>, %select_n3A_23, %reduce_min3A_24 [1] : vector<2048x8xi32> to vector<2048xi32>
    %broadcast_in_dim3A_26 = vector.shape_cast %reduce_min3A_25 : vector<2048xi32> to vector<2048x1xi32>
    %abs3A = math.absf %dot_general3A_5 : vector<2048x8xf32>
    %max3A = vector.broadcast %broadcast_in_dim3A : vector<2048x1xf32> to vector<2048x8xf32>
    %max3A_27 = arith.maximumf %abs3A, %max3A : vector<2048x8xf32>
    %sub3A = vector.broadcast %broadcast_in_dim3A : vector<2048x1xf32> to vector<2048x8xf32>
    %sub3A_28 = arith.subf %sub3A, %dot_general3A_5 : vector<2048x8xf32>
    %div3A = arith.divf %sub3A_28, %max3A_27 : vector<2048x8xf32>
    %gt3A = arith.constant 2.000000e-02 : f32
    %gt3A_29 = vector.broadcast %gt3A : f32 to vector<2048x8xf32>
    %gt3A_30 = arith.cmpf ogt, %div3A, %gt3A_29 : vector<2048x8xf32>
    %jit3A_31 = arith.constant 0xFF800000 : f32
    %broadcast_in_dim3A_32 = vector.broadcast %jit3A_31 : f32 to vector<2048x8xf32>
    %select_n3A_33 = arith.select %gt3A_30, %broadcast_in_dim3A_32, %dot_general3A_5 : vector<2048x8xi1>, vector<2048x8xf32>
    %reduce_max3A_34 = arith.constant dense<0xFF800000> : vector<2048xf32>
    %reduce_max3A_35 = vector.multi_reduction <maximumf>, %select_n3A_33, %reduce_max3A_34 [1] : vector<2048x8xf32> to vector<2048xf32>
    %max3A_36 = arith.constant 0xFF800000 : f32
    %max3A_37 = vector.broadcast %max3A_36 : f32 to vector<2048xf32>
    %max3A_38 = arith.maximumf %max3A_37, %reduce_max3A_35 : vector<2048xf32>
    %broadcast_in_dim3A_39 = vector.shape_cast %max3A_38 : vector<2048xf32> to vector<2048x1xf32>
    %sub3A_40 = vector.broadcast %broadcast_in_dim3A_39 : vector<2048x1xf32> to vector<2048x8xf32>
    %sub3A_41 = arith.subf %select_n3A_33, %sub3A_40 : vector<2048x8xf32>
    %exp3A = math.exp %sub3A_41 : vector<2048x8xf32>
    %reduce_sum3A = arith.constant dense<0.000000e+00> : vector<2048xf32>
    %reduce_sum3A_42 = vector.multi_reduction <add>, %exp3A, %reduce_sum3A [1] : vector<2048x8xf32> to vector<2048xf32>
    %broadcast_in_dim3A_43 = vector.shape_cast %reduce_sum3A_42 : vector<2048xf32> to vector<2048x1xf32>
    %div3A_44 = vector.broadcast %broadcast_in_dim3A_43 : vector<2048x1xf32> to vector<2048x8xf32>
    %div3A_45 = arith.divf %exp3A, %div3A_44 : vector<2048x8xf32>
    %eq3A_46 = vector.broadcast %broadcast_in_dim3A_10 : vector<2048x1xi32> to vector<2048x8xi32>
    %eq3A_47 = arith.cmpi eq, %iota3A, %eq3A_46 : vector<2048x8xi32>
    %jit3A_48 = arith.constant 0.000000e+00 : f32
    %broadcast_in_dim3A_49 = vector.broadcast %jit3A_48 : f32 to vector<2048x8xf32>
    %select_n3A_50 = arith.select %eq3A_47, %div3A_45, %broadcast_in_dim3A_49 : vector<2048x8xi1>, vector<2048x8xf32>
    %reduce_sum3A_51 = arith.constant dense<0.000000e+00> : vector<2048xf32>
    %reduce_sum3A_52 = vector.multi_reduction <add>, %select_n3A_50, %reduce_sum3A_51 [1] : vector<2048x8xf32> to vector<2048xf32>
    %broadcast_in_dim3A_53 = vector.shape_cast %reduce_sum3A_52 : vector<2048xf32> to vector<2048x1xf32>
    %abs3A_54 = math.absf %dot_general3A_5 : vector<2048x8xf32>
    %max3A_55 = vector.broadcast %broadcast_in_dim3A_18 : vector<2048x1xf32> to vector<2048x8xf32>
    %max3A_56 = arith.maximumf %abs3A_54, %max3A_55 : vector<2048x8xf32>
    %eq3A_57 = vector.broadcast %broadcast_in_dim3A_10 : vector<2048x1xi32> to vector<2048x8xi32>
    %eq3A_58 = arith.cmpi eq, %iota3A, %eq3A_57 : vector<2048x8xi32>
    %jit3A_59 = arith.constant 0xFF800000 : f32
    %broadcast_in_dim3A_60 = vector.broadcast %jit3A_59 : f32 to vector<2048x8xf32>
    %select_n3A_61 = arith.select %eq3A_58, %broadcast_in_dim3A_60, %dot_general3A_5 : vector<2048x8xi1>, vector<2048x8xf32>
    %sub3A_62 = vector.broadcast %broadcast_in_dim3A_18 : vector<2048x1xf32> to vector<2048x8xf32>
    %sub3A_63 = arith.subf %sub3A_62, %dot_general3A_5 : vector<2048x8xf32>
    %div3A_64 = arith.divf %sub3A_63, %max3A_56 : vector<2048x8xf32>
    %gt3A_65 = arith.constant 2.000000e-02 : f32
    %gt3A_66 = vector.broadcast %gt3A_65 : f32 to vector<2048x8xf32>
    %gt3A_67 = arith.cmpf ogt, %div3A_64, %gt3A_66 : vector<2048x8xf32>
    %jit3A_68 = arith.constant 0xFF800000 : f32
    %broadcast_in_dim3A_69 = vector.broadcast %jit3A_68 : f32 to vector<2048x8xf32>
    %select_n3A_70 = arith.select %gt3A_67, %broadcast_in_dim3A_69, %select_n3A_61 : vector<2048x8xi1>, vector<2048x8xf32>
    %reduce_max3A_71 = arith.constant dense<0xFF800000> : vector<2048xf32>
    %reduce_max3A_72 = vector.multi_reduction <maximumf>, %select_n3A_70, %reduce_max3A_71 [1] : vector<2048x8xf32> to vector<2048xf32>
    %max3A_73 = arith.constant 0xFF800000 : f32
    %max3A_74 = vector.broadcast %max3A_73 : f32 to vector<2048xf32>
    %max3A_75 = arith.maximumf %max3A_74, %reduce_max3A_72 : vector<2048xf32>
    %broadcast_in_dim3A_76 = vector.shape_cast %max3A_75 : vector<2048xf32> to vector<2048x1xf32>
    %sub3A_77 = vector.broadcast %broadcast_in_dim3A_76 : vector<2048x1xf32> to vector<2048x8xf32>
    %sub3A_78 = arith.subf %select_n3A_70, %sub3A_77 : vector<2048x8xf32>
    %exp3A_79 = math.exp %sub3A_78 : vector<2048x8xf32>
    %reduce_sum3A_80 = arith.constant dense<0.000000e+00> : vector<2048xf32>
    %reduce_sum3A_81 = vector.multi_reduction <add>, %exp3A_79, %reduce_sum3A_80 [1] : vector<2048x8xf32> to vector<2048xf32>
    %broadcast_in_dim3A_82 = vector.shape_cast %reduce_sum3A_81 : vector<2048xf32> to vector<2048x1xf32>
    %div3A_83 = vector.broadcast %broadcast_in_dim3A_82 : vector<2048x1xf32> to vector<2048x8xf32>
    %div3A_84 = arith.divf %exp3A_79, %div3A_83 : vector<2048x8xf32>
    %eq3A_85 = vector.broadcast %broadcast_in_dim3A_26 : vector<2048x1xi32> to vector<2048x8xi32>
    %eq3A_86 = arith.cmpi eq, %iota3A, %eq3A_85 : vector<2048x8xi32>
    %jit3A_87 = arith.constant 0.000000e+00 : f32
    %broadcast_in_dim3A_88 = vector.broadcast %jit3A_87 : f32 to vector<2048x8xf32>
    %select_n3A_89 = arith.select %eq3A_86, %div3A_84, %broadcast_in_dim3A_88 : vector<2048x8xi1>, vector<2048x8xf32>
    %reduce_sum3A_90 = arith.constant dense<0.000000e+00> : vector<2048xf32>
    %reduce_sum3A_91 = vector.multi_reduction <add>, %select_n3A_89, %reduce_sum3A_90 [1] : vector<2048x8xf32> to vector<2048xf32>
    %broadcast_in_dim3A_92 = vector.shape_cast %reduce_sum3A_91 : vector<2048xf32> to vector<2048x1xf32>
    %eq3A_93 = vector.broadcast %broadcast_in_dim3A_10 : vector<2048x1xi32> to vector<2048x8xi32>
    %eq3A_94 = arith.cmpi eq, %iota3A, %eq3A_93 : vector<2048x8xi32>
    %convert_element_type3A = arith.extui %eq3A_94 : vector<2048x8xi1> to vector<2048x8xi32>
    %convert_element_type3A_95 = arith.sitofp %convert_element_type3A : vector<2048x8xi32> to vector<2048x8xf32>
    %eq3A_96 = vector.broadcast %broadcast_in_dim3A_26 : vector<2048x1xi32> to vector<2048x8xi32>
    %eq3A_97 = arith.cmpi eq, %iota3A, %eq3A_96 : vector<2048x8xi32>
    %convert_element_type3A_98 = arith.extui %eq3A_97 : vector<2048x8xi1> to vector<2048x8xi32>
    %convert_element_type3A_99 = arith.sitofp %convert_element_type3A_98 : vector<2048x8xi32> to vector<2048x8xf32>
    %iota3A_100 = tpu.iota {dimensions = array<i32: 0>} : vector<2048x2048xi32>
    %iota3A_101 = tpu.iota {dimensions = array<i32: 1>} : vector<2048x2048xi32>
    %lt3A = arith.cmpi slt, %iota3A_101, %iota3A_100 : vector<2048x2048xi32>
    %convert_element_type3A_102 = arith.extui %lt3A : vector<2048x2048xi1> to vector<2048x2048xi32>
    %convert_element_type3A_103 = arith.sitofp %convert_element_type3A_102 : vector<2048x2048xi32> to vector<2048x2048xf32>
    %dot_general3A_104 = arith.constant dense<0.000000e+00> : vector<2048x8xf32>
    %dot_general3A_105 = tpu.matmul %convert_element_type3A_103, %convert_element_type3A_95, %dot_general3A_104 {dimension_numbers = #tpu.dot_dimension_numbers<[1], [0], [0], [1], [0, 0, 1, 1], [], []>, transpose_lhs_hint = false} : vector<2048x2048xf32>, vector<2048x8xf32>, vector<2048x8xf32> -> vector<2048x8xf32>
    %dot_general3A_106 = arith.constant dense<0.000000e+00> : vector<2048x8xf32>
    %dot_general3A_107 = tpu.matmul %convert_element_type3A_103, %convert_element_type3A_99, %dot_general3A_106 {dimension_numbers = #tpu.dot_dimension_numbers<[1], [0], [0], [1], [0, 0, 1, 1], [], []>, transpose_lhs_hint = false} : vector<2048x2048xf32>, vector<2048x8xf32>, vector<2048x8xf32> -> vector<2048x8xf32>
    %reduce_sum3A_108 = arith.constant dense<0.000000e+00> : vector<8xf32>
    %reduce_sum3A_109 = vector.multi_reduction <add>, %convert_element_type3A_95, %reduce_sum3A_108 [0] : vector<2048x8xf32> to vector<8xf32>
    %broadcast_in_dim3A_110 = vector.shape_cast %reduce_sum3A_109 : vector<8xf32> to vector<1x8xf32>
    %reduce_sum3A_111 = arith.constant dense<0.000000e+00> : vector<8xf32>
    %reduce_sum3A_112 = vector.multi_reduction <add>, %convert_element_type3A_99, %reduce_sum3A_111 [0] : vector<2048x8xf32> to vector<8xf32>
    %broadcast_in_dim3A_113 = vector.shape_cast %reduce_sum3A_112 : vector<8xf32> to vector<1x8xf32>
    %add3A = arith.addf %broadcast_in_dim3A_110, %broadcast_in_dim3A_113 : vector<1x8xf32>
    %add3A_114 = arith.constant 2.550000e+02 : f32
    %add3A_115 = vector.broadcast %add3A_114 : f32 to vector<1x8xf32>
    %add3A_116 = arith.addf %add3A, %add3A_115 : vector<1x8xf32>
    %div3A_117 = arith.constant 2.560000e+02 : f32
    %div3A_118 = vector.broadcast %div3A_117 : f32 to vector<1x8xf32>
    %div3A_119 = arith.divf %add3A_116, %div3A_118 : vector<1x8xf32>
    %floor3A = math.floor %div3A_119 : vector<1x8xf32>
    %mul3A = arith.constant 2.560000e+02 : f32
    %mul3A_120 = vector.broadcast %mul3A : f32 to vector<1x8xf32>
    %mul3A_121 = arith.mulf %floor3A, %mul3A_120 : vector<1x8xf32>
    %iota3A_122 = tpu.iota {dimensions = array<i32: 1>} : vector<1x8xi32>
    %broadcast_in_dim3A_123 = arith.constant 0.000000e+00 : f32
    %broadcast_in_dim3A_124 = vector.broadcast %broadcast_in_dim3A_123 : f32 to vector<1x8xf32>
    %eq3A_125 = arith.constant 0 : i32
    %eq3A_126 = vector.broadcast %eq3A_125 : i32 to vector<1x8xi32>
    %eq3A_127 = arith.cmpi eq, %iota3A_122, %eq3A_126 : vector<1x8xi32>
    %jit3A_128 = arith.constant 0.000000e+00 : f32
    %broadcast_in_dim3A_129 = vector.broadcast %jit3A_128 : f32 to vector<1x8xf32>
    %select_n3A_130 = arith.select %eq3A_127, %mul3A_121, %broadcast_in_dim3A_129 : vector<1x8xi1>, vector<1x8xf32>
    %reduce_sum3A_131 = arith.constant dense<0.000000e+00> : vector<1xf32>
    %reduce_sum3A_132 = vector.multi_reduction <add>, %select_n3A_130, %reduce_sum3A_131 [1] : vector<1x8xf32> to vector<1xf32>
    %broadcast_in_dim3A_133 = vector.shape_cast %reduce_sum3A_132 : vector<1xf32> to vector<1x1xf32>
    %gt3A_134 = arith.constant 0 : i32
    %gt3A_135 = vector.broadcast %gt3A_134 : i32 to vector<1x8xi32>
    %gt3A_136 = arith.cmpi sgt, %iota3A_122, %gt3A_135 : vector<1x8xi32>
    %jit3A_137 = arith.constant 0.000000e+00 : f32
    %broadcast_in_dim3A_138 = vector.shape_cast %broadcast_in_dim3A_133 : vector<1x1xf32> to vector<1x1xf32>
    %broadcast_in_dim3A_139 = vector.broadcast %broadcast_in_dim3A_138 : vector<1x1xf32> to vector<1x8xf32>
    %broadcast_in_dim3A_140 = vector.broadcast %jit3A_137 : f32 to vector<1x8xf32>
    %select_n3A_141 = arith.select %gt3A_136, %broadcast_in_dim3A_139, %broadcast_in_dim3A_140 : vector<1x8xi1>, vector<1x8xf32>
    %add3A_142 = arith.addf %broadcast_in_dim3A_124, %select_n3A_141 : vector<1x8xf32>
    %eq3A_143 = arith.constant 1 : i32
    %eq3A_144 = vector.broadcast %eq3A_143 : i32 to vector<1x8xi32>
    %eq3A_145 = arith.cmpi eq, %iota3A_122, %eq3A_144 : vector<1x8xi32>
    %jit3A_146 = arith.constant 0.000000e+00 : f32
    %broadcast_in_dim3A_147 = vector.broadcast %jit3A_146 : f32 to vector<1x8xf32>
    %select_n3A_148 = arith.select %eq3A_145, %mul3A_121, %broadcast_in_dim3A_147 : vector<1x8xi1>, vector<1x8xf32>
    %reduce_sum3A_149 = arith.constant dense<0.000000e+00> : vector<1xf32>
    %reduce_sum3A_150 = vector.multi_reduction <add>, %select_n3A_148, %reduce_sum3A_149 [1] : vector<1x8xf32> to vector<1xf32>
    %broadcast_in_dim3A_151 = vector.shape_cast %reduce_sum3A_150 : vector<1xf32> to vector<1x1xf32>
    %gt3A_152 = arith.constant 1 : i32
    %gt3A_153 = vector.broadcast %gt3A_152 : i32 to vector<1x8xi32>
    %gt3A_154 = arith.cmpi sgt, %iota3A_122, %gt3A_153 : vector<1x8xi32>
    %jit3A_155 = arith.constant 0.000000e+00 : f32
    %broadcast_in_dim3A_156 = vector.shape_cast %broadcast_in_dim3A_151 : vector<1x1xf32> to vector<1x1xf32>
    %broadcast_in_dim3A_157 = vector.broadcast %broadcast_in_dim3A_156 : vector<1x1xf32> to vector<1x8xf32>
    %broadcast_in_dim3A_158 = vector.broadcast %jit3A_155 : f32 to vector<1x8xf32>
    %select_n3A_159 = arith.select %gt3A_154, %broadcast_in_dim3A_157, %broadcast_in_dim3A_158 : vector<1x8xi1>, vector<1x8xf32>
    %add3A_160 = arith.addf %add3A_142, %select_n3A_159 : vector<1x8xf32>
    %eq3A_161 = arith.constant 2 : i32
    %eq3A_162 = vector.broadcast %eq3A_161 : i32 to vector<1x8xi32>
    %eq3A_163 = arith.cmpi eq, %iota3A_122, %eq3A_162 : vector<1x8xi32>
    %jit3A_164 = arith.constant 0.000000e+00 : f32
    %broadcast_in_dim3A_165 = vector.broadcast %jit3A_164 : f32 to vector<1x8xf32>
    %select_n3A_166 = arith.select %eq3A_163, %mul3A_121, %broadcast_in_dim3A_165 : vector<1x8xi1>, vector<1x8xf32>
    %reduce_sum3A_167 = arith.constant dense<0.000000e+00> : vector<1xf32>
    %reduce_sum3A_168 = vector.multi_reduction <add>, %select_n3A_166, %reduce_sum3A_167 [1] : vector<1x8xf32> to vector<1xf32>
    %broadcast_in_dim3A_169 = vector.shape_cast %reduce_sum3A_168 : vector<1xf32> to vector<1x1xf32>
    %gt3A_170 = arith.constant 2 : i32
    %gt3A_171 = vector.broadcast %gt3A_170 : i32 to vector<1x8xi32>
    %gt3A_172 = arith.cmpi sgt, %iota3A_122, %gt3A_171 : vector<1x8xi32>
    %jit3A_173 = arith.constant 0.000000e+00 : f32
    %broadcast_in_dim3A_174 = vector.shape_cast %broadcast_in_dim3A_169 : vector<1x1xf32> to vector<1x1xf32>
    %broadcast_in_dim3A_175 = vector.broadcast %broadcast_in_dim3A_174 : vector<1x1xf32> to vector<1x8xf32>
    %broadcast_in_dim3A_176 = vector.broadcast %jit3A_173 : f32 to vector<1x8xf32>
    %select_n3A_177 = arith.select %gt3A_172, %broadcast_in_dim3A_175, %broadcast_in_dim3A_176 : vector<1x8xi1>, vector<1x8xf32>
    %add3A_178 = arith.addf %add3A_160, %select_n3A_177 : vector<1x8xf32>
    %eq3A_179 = arith.constant 3 : i32
    %eq3A_180 = vector.broadcast %eq3A_179 : i32 to vector<1x8xi32>
    %eq3A_181 = arith.cmpi eq, %iota3A_122, %eq3A_180 : vector<1x8xi32>
    %jit3A_182 = arith.constant 0.000000e+00 : f32
    %broadcast_in_dim3A_183 = vector.broadcast %jit3A_182 : f32 to vector<1x8xf32>
    %select_n3A_184 = arith.select %eq3A_181, %mul3A_121, %broadcast_in_dim3A_183 : vector<1x8xi1>, vector<1x8xf32>
    %reduce_sum3A_185 = arith.constant dense<0.000000e+00> : vector<1xf32>
    %reduce_sum3A_186 = vector.multi_reduction <add>, %select_n3A_184, %reduce_sum3A_185 [1] : vector<1x8xf32> to vector<1xf32>
    %broadcast_in_dim3A_187 = vector.shape_cast %reduce_sum3A_186 : vector<1xf32> to vector<1x1xf32>
    %gt3A_188 = arith.constant 3 : i32
    %gt3A_189 = vector.broadcast %gt3A_188 : i32 to vector<1x8xi32>
    %gt3A_190 = arith.cmpi sgt, %iota3A_122, %gt3A_189 : vector<1x8xi32>
    %jit3A_191 = arith.constant 0.000000e+00 : f32
    %broadcast_in_dim3A_192 = vector.shape_cast %broadcast_in_dim3A_187 : vector<1x1xf32> to vector<1x1xf32>
    %broadcast_in_dim3A_193 = vector.broadcast %broadcast_in_dim3A_192 : vector<1x1xf32> to vector<1x8xf32>
    %broadcast_in_dim3A_194 = vector.broadcast %jit3A_191 : f32 to vector<1x8xf32>
    %select_n3A_195 = arith.select %gt3A_190, %broadcast_in_dim3A_193, %broadcast_in_dim3A_194 : vector<1x8xi1>, vector<1x8xf32>
    %add3A_196 = arith.addf %add3A_178, %select_n3A_195 : vector<1x8xf32>
    %eq3A_197 = arith.constant 4 : i32
    %eq3A_198 = vector.broadcast %eq3A_197 : i32 to vector<1x8xi32>
    %eq3A_199 = arith.cmpi eq, %iota3A_122, %eq3A_198 : vector<1x8xi32>
    %jit3A_200 = arith.constant 0.000000e+00 : f32
    %broadcast_in_dim3A_201 = vector.broadcast %jit3A_200 : f32 to vector<1x8xf32>
    %select_n3A_202 = arith.select %eq3A_199, %mul3A_121, %broadcast_in_dim3A_201 : vector<1x8xi1>, vector<1x8xf32>
    %reduce_sum3A_203 = arith.constant dense<0.000000e+00> : vector<1xf32>
    %reduce_sum3A_204 = vector.multi_reduction <add>, %select_n3A_202, %reduce_sum3A_203 [1] : vector<1x8xf32> to vector<1xf32>
    %broadcast_in_dim3A_205 = vector.shape_cast %reduce_sum3A_204 : vector<1xf32> to vector<1x1xf32>
    %gt3A_206 = arith.constant 4 : i32
    %gt3A_207 = vector.broadcast %gt3A_206 : i32 to vector<1x8xi32>
    %gt3A_208 = arith.cmpi sgt, %iota3A_122, %gt3A_207 : vector<1x8xi32>
    %jit3A_209 = arith.constant 0.000000e+00 : f32
    %broadcast_in_dim3A_210 = vector.shape_cast %broadcast_in_dim3A_205 : vector<1x1xf32> to vector<1x1xf32>
    %broadcast_in_dim3A_211 = vector.broadcast %broadcast_in_dim3A_210 : vector<1x1xf32> to vector<1x8xf32>
    %broadcast_in_dim3A_212 = vector.broadcast %jit3A_209 : f32 to vector<1x8xf32>
    %select_n3A_213 = arith.select %gt3A_208, %broadcast_in_dim3A_211, %broadcast_in_dim3A_212 : vector<1x8xi1>, vector<1x8xf32>
    %add3A_214 = arith.addf %add3A_196, %select_n3A_213 : vector<1x8xf32>
    %eq3A_215 = arith.constant 5 : i32
    %eq3A_216 = vector.broadcast %eq3A_215 : i32 to vector<1x8xi32>
    %eq3A_217 = arith.cmpi eq, %iota3A_122, %eq3A_216 : vector<1x8xi32>
    %jit3A_218 = arith.constant 0.000000e+00 : f32
    %broadcast_in_dim3A_219 = vector.broadcast %jit3A_218 : f32 to vector<1x8xf32>
    %select_n3A_220 = arith.select %eq3A_217, %mul3A_121, %broadcast_in_dim3A_219 : vector<1x8xi1>, vector<1x8xf32>
    %reduce_sum3A_221 = arith.constant dense<0.000000e+00> : vector<1xf32>
    %reduce_sum3A_222 = vector.multi_reduction <add>, %select_n3A_220, %reduce_sum3A_221 [1] : vector<1x8xf32> to vector<1xf32>
    %broadcast_in_dim3A_223 = vector.shape_cast %reduce_sum3A_222 : vector<1xf32> to vector<1x1xf32>
    %gt3A_224 = arith.constant 5 : i32
    %gt3A_225 = vector.broadcast %gt3A_224 : i32 to vector<1x8xi32>
    %gt3A_226 = arith.cmpi sgt, %iota3A_122, %gt3A_225 : vector<1x8xi32>
    %jit3A_227 = arith.constant 0.000000e+00 : f32
    %broadcast_in_dim3A_228 = vector.shape_cast %broadcast_in_dim3A_223 : vector<1x1xf32> to vector<1x1xf32>
    %broadcast_in_dim3A_229 = vector.broadcast %broadcast_in_dim3A_228 : vector<1x1xf32> to vector<1x8xf32>
    %broadcast_in_dim3A_230 = vector.broadcast %jit3A_227 : f32 to vector<1x8xf32>
    %select_n3A_231 = arith.select %gt3A_226, %broadcast_in_dim3A_229, %broadcast_in_dim3A_230 : vector<1x8xi1>, vector<1x8xf32>
    %add3A_232 = arith.addf %add3A_214, %select_n3A_231 : vector<1x8xf32>
    %eq3A_233 = arith.constant 6 : i32
    %eq3A_234 = vector.broadcast %eq3A_233 : i32 to vector<1x8xi32>
    %eq3A_235 = arith.cmpi eq, %iota3A_122, %eq3A_234 : vector<1x8xi32>
    %jit3A_236 = arith.constant 0.000000e+00 : f32
    %broadcast_in_dim3A_237 = vector.broadcast %jit3A_236 : f32 to vector<1x8xf32>
    %select_n3A_238 = arith.select %eq3A_235, %mul3A_121, %broadcast_in_dim3A_237 : vector<1x8xi1>, vector<1x8xf32>
    %reduce_sum3A_239 = arith.constant dense<0.000000e+00> : vector<1xf32>
    %reduce_sum3A_240 = vector.multi_reduction <add>, %select_n3A_238, %reduce_sum3A_239 [1] : vector<1x8xf32> to vector<1xf32>
    %broadcast_in_dim3A_241 = vector.shape_cast %reduce_sum3A_240 : vector<1xf32> to vector<1x1xf32>
    %gt3A_242 = arith.constant 6 : i32
    %gt3A_243 = vector.broadcast %gt3A_242 : i32 to vector<1x8xi32>
    %gt3A_244 = arith.cmpi sgt, %iota3A_122, %gt3A_243 : vector<1x8xi32>
    %jit3A_245 = arith.constant 0.000000e+00 : f32
    %broadcast_in_dim3A_246 = vector.shape_cast %broadcast_in_dim3A_241 : vector<1x1xf32> to vector<1x1xf32>
    %broadcast_in_dim3A_247 = vector.broadcast %broadcast_in_dim3A_246 : vector<1x1xf32> to vector<1x8xf32>
    %broadcast_in_dim3A_248 = vector.broadcast %jit3A_245 : f32 to vector<1x8xf32>
    %select_n3A_249 = arith.select %gt3A_244, %broadcast_in_dim3A_247, %broadcast_in_dim3A_248 : vector<1x8xi1>, vector<1x8xf32>
    %add3A_250 = arith.addf %add3A_232, %select_n3A_249 : vector<1x8xf32>
    %eq3A_251 = arith.constant 7 : i32
    %eq3A_252 = vector.broadcast %eq3A_251 : i32 to vector<1x8xi32>
    %eq3A_253 = arith.cmpi eq, %iota3A_122, %eq3A_252 : vector<1x8xi32>
    %jit3A_254 = arith.constant 0.000000e+00 : f32
    %broadcast_in_dim3A_255 = vector.broadcast %jit3A_254 : f32 to vector<1x8xf32>
    %select_n3A_256 = arith.select %eq3A_253, %mul3A_121, %broadcast_in_dim3A_255 : vector<1x8xi1>, vector<1x8xf32>
    %reduce_sum3A_257 = arith.constant dense<0.000000e+00> : vector<1xf32>
    %reduce_sum3A_258 = vector.multi_reduction <add>, %select_n3A_256, %reduce_sum3A_257 [1] : vector<1x8xf32> to vector<1xf32>
    %broadcast_in_dim3A_259 = vector.shape_cast %reduce_sum3A_258 : vector<1xf32> to vector<1x1xf32>
    %gt3A_260 = arith.constant 7 : i32
    %gt3A_261 = vector.broadcast %gt3A_260 : i32 to vector<1x8xi32>
    %gt3A_262 = arith.cmpi sgt, %iota3A_122, %gt3A_261 : vector<1x8xi32>
    %jit3A_263 = arith.constant 0.000000e+00 : f32
    %broadcast_in_dim3A_264 = vector.shape_cast %broadcast_in_dim3A_259 : vector<1x1xf32> to vector<1x1xf32>
    %broadcast_in_dim3A_265 = vector.broadcast %broadcast_in_dim3A_264 : vector<1x1xf32> to vector<1x8xf32>
    %broadcast_in_dim3A_266 = vector.broadcast %jit3A_263 : f32 to vector<1x8xf32>
    %select_n3A_267 = arith.select %gt3A_262, %broadcast_in_dim3A_265, %broadcast_in_dim3A_266 : vector<1x8xi1>, vector<1x8xf32>
    %add3A_268 = arith.addf %add3A_250, %select_n3A_267 : vector<1x8xf32>
    %add3A_269 = arith.addf %add3A_268, %mul3A_121 : vector<1x8xf32>
    %add3A_270 = vector.broadcast %add3A_268 : vector<1x8xf32> to vector<2048x8xf32>
    %add3A_271 = arith.addf %add3A_270, %dot_general3A_105 : vector<2048x8xf32>
    %mul3A_272 = arith.mulf %add3A_271, %convert_element_type3A_95 : vector<2048x8xf32>
    %reduce_sum3A_273 = arith.constant dense<0.000000e+00> : vector<2048xf32>
    %reduce_sum3A_274 = vector.multi_reduction <add>, %mul3A_272, %reduce_sum3A_273 [1] : vector<2048x8xf32> to vector<2048xf32>
    %broadcast_in_dim3A_275 = vector.shape_cast %reduce_sum3A_274 : vector<2048xf32> to vector<2048x1xf32>
    %add3A_276 = arith.addf %add3A_268, %broadcast_in_dim3A_110 : vector<1x8xf32>
    %add3A_277 = vector.broadcast %add3A_276 : vector<1x8xf32> to vector<2048x8xf32>
    %add3A_278 = arith.addf %add3A_277, %dot_general3A_107 : vector<2048x8xf32>
    %mul3A_279 = arith.mulf %add3A_278, %convert_element_type3A_99 : vector<2048x8xf32>
    %reduce_sum3A_280 = arith.constant dense<0.000000e+00> : vector<2048xf32>
    %reduce_sum3A_281 = vector.multi_reduction <add>, %mul3A_279, %reduce_sum3A_280 [1] : vector<2048x8xf32> to vector<2048xf32>
    %broadcast_in_dim3A_282 = vector.shape_cast %reduce_sum3A_281 : vector<2048xf32> to vector<2048x1xf32>
    %iota3A_283 = tpu.iota {dimensions = array<i32: 1>} : vector<1x128xi32>
    %convert_element_type3A_284 = arith.sitofp %iota3A_283 : vector<1x128xi32> to vector<1x128xf32>
    %broadcast_in_dim3A_285 = arith.constant 0.000000e+00 : f32
    %broadcast_in_dim3A_286 = vector.broadcast %broadcast_in_dim3A_285 : f32 to vector<1x128xf32>
    %eq3A_287 = arith.constant 0 : i32
    %eq3A_288 = vector.broadcast %eq3A_287 : i32 to vector<1x8xi32>
    %eq3A_289 = arith.cmpi eq, %iota3A_122, %eq3A_288 : vector<1x8xi32>
    %jit3A_290 = arith.constant 0.000000e+00 : f32
    %broadcast_in_dim3A_291 = vector.broadcast %jit3A_290 : f32 to vector<1x8xf32>
    %select_n3A_292 = arith.select %eq3A_289, %add3A_269, %broadcast_in_dim3A_291 : vector<1x8xi1>, vector<1x8xf32>
    %reduce_sum3A_293 = arith.constant dense<0.000000e+00> : vector<1xf32>
    %reduce_sum3A_294 = vector.multi_reduction <add>, %select_n3A_292, %reduce_sum3A_293 [1] : vector<1x8xf32> to vector<1xf32>
    %broadcast_in_dim3A_295 = vector.shape_cast %reduce_sum3A_294 : vector<1xf32> to vector<1x1xf32>
    %mul3A_296 = arith.constant 2.560000e+02 : f32
    %mul3A_297 = vector.broadcast %mul3A_296 : f32 to vector<1x128xf32>
    %mul3A_298 = arith.mulf %convert_element_type3A_284, %mul3A_297 : vector<1x128xf32>
    %ge3A = vector.broadcast %broadcast_in_dim3A_295 : vector<1x1xf32> to vector<1x128xf32>
    %ge3A_299 = arith.cmpf oge, %mul3A_298, %ge3A : vector<1x128xf32>
    %convert_element_type3A_300 = arith.extui %ge3A_299 : vector<1x128xi1> to vector<1x128xi32>
    %convert_element_type3A_301 = arith.sitofp %convert_element_type3A_300 : vector<1x128xi32> to vector<1x128xf32>
    %add3A_302 = arith.addf %broadcast_in_dim3A_286, %convert_element_type3A_301 : vector<1x128xf32>
    %eq3A_303 = arith.constant 1 : i32
    %eq3A_304 = vector.broadcast %eq3A_303 : i32 to vector<1x8xi32>
    %eq3A_305 = arith.cmpi eq, %iota3A_122, %eq3A_304 : vector<1x8xi32>
    %jit3A_306 = arith.constant 0.000000e+00 : f32
    %broadcast_in_dim3A_307 = vector.broadcast %jit3A_306 : f32 to vector<1x8xf32>
    %select_n3A_308 = arith.select %eq3A_305, %add3A_269, %broadcast_in_dim3A_307 : vector<1x8xi1>, vector<1x8xf32>
    %reduce_sum3A_309 = arith.constant dense<0.000000e+00> : vector<1xf32>
    %reduce_sum3A_310 = vector.multi_reduction <add>, %select_n3A_308, %reduce_sum3A_309 [1] : vector<1x8xf32> to vector<1xf32>
    %broadcast_in_dim3A_311 = vector.shape_cast %reduce_sum3A_310 : vector<1xf32> to vector<1x1xf32>
    %mul3A_312 = arith.constant 2.560000e+02 : f32
    %mul3A_313 = vector.broadcast %mul3A_312 : f32 to vector<1x128xf32>
    %mul3A_314 = arith.mulf %convert_element_type3A_284, %mul3A_313 : vector<1x128xf32>
    %ge3A_315 = vector.broadcast %broadcast_in_dim3A_311 : vector<1x1xf32> to vector<1x128xf32>
    %ge3A_316 = arith.cmpf oge, %mul3A_314, %ge3A_315 : vector<1x128xf32>
    %convert_element_type3A_317 = arith.extui %ge3A_316 : vector<1x128xi1> to vector<1x128xi32>
    %convert_element_type3A_318 = arith.sitofp %convert_element_type3A_317 : vector<1x128xi32> to vector<1x128xf32>
    %add3A_319 = arith.addf %add3A_302, %convert_element_type3A_318 : vector<1x128xf32>
    %eq3A_320 = arith.constant 2 : i32
    %eq3A_321 = vector.broadcast %eq3A_320 : i32 to vector<1x8xi32>
    %eq3A_322 = arith.cmpi eq, %iota3A_122, %eq3A_321 : vector<1x8xi32>
    %jit3A_323 = arith.constant 0.000000e+00 : f32
    %broadcast_in_dim3A_324 = vector.broadcast %jit3A_323 : f32 to vector<1x8xf32>
    %select_n3A_325 = arith.select %eq3A_322, %add3A_269, %broadcast_in_dim3A_324 : vector<1x8xi1>, vector<1x8xf32>
    %reduce_sum3A_326 = arith.constant dense<0.000000e+00> : vector<1xf32>
    %reduce_sum3A_327 = vector.multi_reduction <add>, %select_n3A_325, %reduce_sum3A_326 [1] : vector<1x8xf32> to vector<1xf32>
    %broadcast_in_dim3A_328 = vector.shape_cast %reduce_sum3A_327 : vector<1xf32> to vector<1x1xf32>
    %mul3A_329 = arith.constant 2.560000e+02 : f32
    %mul3A_330 = vector.broadcast %mul3A_329 : f32 to vector<1x128xf32>
    %mul3A_331 = arith.mulf %convert_element_type3A_284, %mul3A_330 : vector<1x128xf32>
    %ge3A_332 = vector.broadcast %broadcast_in_dim3A_328 : vector<1x1xf32> to vector<1x128xf32>
    %ge3A_333 = arith.cmpf oge, %mul3A_331, %ge3A_332 : vector<1x128xf32>
    %convert_element_type3A_334 = arith.extui %ge3A_333 : vector<1x128xi1> to vector<1x128xi32>
    %convert_element_type3A_335 = arith.sitofp %convert_element_type3A_334 : vector<1x128xi32> to vector<1x128xf32>
    %add3A_336 = arith.addf %add3A_319, %convert_element_type3A_335 : vector<1x128xf32>
    %eq3A_337 = arith.constant 3 : i32
    %eq3A_338 = vector.broadcast %eq3A_337 : i32 to vector<1x8xi32>
    %eq3A_339 = arith.cmpi eq, %iota3A_122, %eq3A_338 : vector<1x8xi32>
    %jit3A_340 = arith.constant 0.000000e+00 : f32
    %broadcast_in_dim3A_341 = vector.broadcast %jit3A_340 : f32 to vector<1x8xf32>
    %select_n3A_342 = arith.select %eq3A_339, %add3A_269, %broadcast_in_dim3A_341 : vector<1x8xi1>, vector<1x8xf32>
    %reduce_sum3A_343 = arith.constant dense<0.000000e+00> : vector<1xf32>
    %reduce_sum3A_344 = vector.multi_reduction <add>, %select_n3A_342, %reduce_sum3A_343 [1] : vector<1x8xf32> to vector<1xf32>
    %broadcast_in_dim3A_345 = vector.shape_cast %reduce_sum3A_344 : vector<1xf32> to vector<1x1xf32>
    %mul3A_346 = arith.constant 2.560000e+02 : f32
    %mul3A_347 = vector.broadcast %mul3A_346 : f32 to vector<1x128xf32>
    %mul3A_348 = arith.mulf %convert_element_type3A_284, %mul3A_347 : vector<1x128xf32>
    %ge3A_349 = vector.broadcast %broadcast_in_dim3A_345 : vector<1x1xf32> to vector<1x128xf32>
    %ge3A_350 = arith.cmpf oge, %mul3A_348, %ge3A_349 : vector<1x128xf32>
    %convert_element_type3A_351 = arith.extui %ge3A_350 : vector<1x128xi1> to vector<1x128xi32>
    %convert_element_type3A_352 = arith.sitofp %convert_element_type3A_351 : vector<1x128xi32> to vector<1x128xf32>
    %add3A_353 = arith.addf %add3A_336, %convert_element_type3A_352 : vector<1x128xf32>
    %eq3A_354 = arith.constant 4 : i32
    %eq3A_355 = vector.broadcast %eq3A_354 : i32 to vector<1x8xi32>
    %eq3A_356 = arith.cmpi eq, %iota3A_122, %eq3A_355 : vector<1x8xi32>
    %jit3A_357 = arith.constant 0.000000e+00 : f32
    %broadcast_in_dim3A_358 = vector.broadcast %jit3A_357 : f32 to vector<1x8xf32>
    %select_n3A_359 = arith.select %eq3A_356, %add3A_269, %broadcast_in_dim3A_358 : vector<1x8xi1>, vector<1x8xf32>
    %reduce_sum3A_360 = arith.constant dense<0.000000e+00> : vector<1xf32>
    %reduce_sum3A_361 = vector.multi_reduction <add>, %select_n3A_359, %reduce_sum3A_360 [1] : vector<1x8xf32> to vector<1xf32>
    %broadcast_in_dim3A_362 = vector.shape_cast %reduce_sum3A_361 : vector<1xf32> to vector<1x1xf32>
    %mul3A_363 = arith.constant 2.560000e+02 : f32
    %mul3A_364 = vector.broadcast %mul3A_363 : f32 to vector<1x128xf32>
    %mul3A_365 = arith.mulf %convert_element_type3A_284, %mul3A_364 : vector<1x128xf32>
    %ge3A_366 = vector.broadcast %broadcast_in_dim3A_362 : vector<1x1xf32> to vector<1x128xf32>
    %ge3A_367 = arith.cmpf oge, %mul3A_365, %ge3A_366 : vector<1x128xf32>
    %convert_element_type3A_368 = arith.extui %ge3A_367 : vector<1x128xi1> to vector<1x128xi32>
    %convert_element_type3A_369 = arith.sitofp %convert_element_type3A_368 : vector<1x128xi32> to vector<1x128xf32>
    %add3A_370 = arith.addf %add3A_353, %convert_element_type3A_369 : vector<1x128xf32>
    %eq3A_371 = arith.constant 5 : i32
    %eq3A_372 = vector.broadcast %eq3A_371 : i32 to vector<1x8xi32>
    %eq3A_373 = arith.cmpi eq, %iota3A_122, %eq3A_372 : vector<1x8xi32>
    %jit3A_374 = arith.constant 0.000000e+00 : f32
    %broadcast_in_dim3A_375 = vector.broadcast %jit3A_374 : f32 to vector<1x8xf32>
    %select_n3A_376 = arith.select %eq3A_373, %add3A_269, %broadcast_in_dim3A_375 : vector<1x8xi1>, vector<1x8xf32>
    %reduce_sum3A_377 = arith.constant dense<0.000000e+00> : vector<1xf32>
    %reduce_sum3A_378 = vector.multi_reduction <add>, %select_n3A_376, %reduce_sum3A_377 [1] : vector<1x8xf32> to vector<1xf32>
    %broadcast_in_dim3A_379 = vector.shape_cast %reduce_sum3A_378 : vector<1xf32> to vector<1x1xf32>
    %mul3A_380 = arith.constant 2.560000e+02 : f32
    %mul3A_381 = vector.broadcast %mul3A_380 : f32 to vector<1x128xf32>
    %mul3A_382 = arith.mulf %convert_element_type3A_284, %mul3A_381 : vector<1x128xf32>
    %ge3A_383 = vector.broadcast %broadcast_in_dim3A_379 : vector<1x1xf32> to vector<1x128xf32>
    %ge3A_384 = arith.cmpf oge, %mul3A_382, %ge3A_383 : vector<1x128xf32>
    %convert_element_type3A_385 = arith.extui %ge3A_384 : vector<1x128xi1> to vector<1x128xi32>
    %convert_element_type3A_386 = arith.sitofp %convert_element_type3A_385 : vector<1x128xi32> to vector<1x128xf32>
    %add3A_387 = arith.addf %add3A_370, %convert_element_type3A_386 : vector<1x128xf32>
    %eq3A_388 = arith.constant 6 : i32
    %eq3A_389 = vector.broadcast %eq3A_388 : i32 to vector<1x8xi32>
    %eq3A_390 = arith.cmpi eq, %iota3A_122, %eq3A_389 : vector<1x8xi32>
    %jit3A_391 = arith.constant 0.000000e+00 : f32
    %broadcast_in_dim3A_392 = vector.broadcast %jit3A_391 : f32 to vector<1x8xf32>
    %select_n3A_393 = arith.select %eq3A_390, %add3A_269, %broadcast_in_dim3A_392 : vector<1x8xi1>, vector<1x8xf32>
    %reduce_sum3A_394 = arith.constant dense<0.000000e+00> : vector<1xf32>
    %reduce_sum3A_395 = vector.multi_reduction <add>, %select_n3A_393, %reduce_sum3A_394 [1] : vector<1x8xf32> to vector<1xf32>
    %broadcast_in_dim3A_396 = vector.shape_cast %reduce_sum3A_395 : vector<1xf32> to vector<1x1xf32>
    %mul3A_397 = arith.constant 2.560000e+02 : f32
    %mul3A_398 = vector.broadcast %mul3A_397 : f32 to vector<1x128xf32>
    %mul3A_399 = arith.mulf %convert_element_type3A_284, %mul3A_398 : vector<1x128xf32>
    %ge3A_400 = vector.broadcast %broadcast_in_dim3A_396 : vector<1x1xf32> to vector<1x128xf32>
    %ge3A_401 = arith.cmpf oge, %mul3A_399, %ge3A_400 : vector<1x128xf32>
    %convert_element_type3A_402 = arith.extui %ge3A_401 : vector<1x128xi1> to vector<1x128xi32>
    %convert_element_type3A_403 = arith.sitofp %convert_element_type3A_402 : vector<1x128xi32> to vector<1x128xf32>
    %add3A_404 = arith.addf %add3A_387, %convert_element_type3A_403 : vector<1x128xf32>
    %eq3A_405 = arith.constant 7 : i32
    %eq3A_406 = vector.broadcast %eq3A_405 : i32 to vector<1x8xi32>
    %eq3A_407 = arith.cmpi eq, %iota3A_122, %eq3A_406 : vector<1x8xi32>
    %jit3A_408 = arith.constant 0.000000e+00 : f32
    %broadcast_in_dim3A_409 = vector.broadcast %jit3A_408 : f32 to vector<1x8xf32>
    %select_n3A_410 = arith.select %eq3A_407, %add3A_269, %broadcast_in_dim3A_409 : vector<1x8xi1>, vector<1x8xf32>
    %reduce_sum3A_411 = arith.constant dense<0.000000e+00> : vector<1xf32>
    %reduce_sum3A_412 = vector.multi_reduction <add>, %select_n3A_410, %reduce_sum3A_411 [1] : vector<1x8xf32> to vector<1xf32>
    %broadcast_in_dim3A_413 = vector.shape_cast %reduce_sum3A_412 : vector<1xf32> to vector<1x1xf32>
    %mul3A_414 = arith.constant 2.560000e+02 : f32
    %mul3A_415 = vector.broadcast %mul3A_414 : f32 to vector<1x128xf32>
    %mul3A_416 = arith.mulf %convert_element_type3A_284, %mul3A_415 : vector<1x128xf32>
    %ge3A_417 = vector.broadcast %broadcast_in_dim3A_413 : vector<1x1xf32> to vector<1x128xf32>
    %ge3A_418 = arith.cmpf oge, %mul3A_416, %ge3A_417 : vector<1x128xf32>
    %convert_element_type3A_419 = arith.extui %ge3A_418 : vector<1x128xi1> to vector<1x128xi32>
    %convert_element_type3A_420 = arith.sitofp %convert_element_type3A_419 : vector<1x128xi32> to vector<1x128xf32>
    %add3A_421 = arith.addf %add3A_404, %convert_element_type3A_420 : vector<1x128xf32>
    %eq3A_422 = arith.constant 7 : i32
    %eq3A_423 = vector.broadcast %eq3A_422 : i32 to vector<1x8xi32>
    %eq3A_424 = arith.cmpi eq, %iota3A_122, %eq3A_423 : vector<1x8xi32>
    %jit3A_425 = arith.constant 0.000000e+00 : f32
    %broadcast_in_dim3A_426 = vector.broadcast %jit3A_425 : f32 to vector<1x8xf32>
    %select_n3A_427 = arith.select %eq3A_424, %add3A_269, %broadcast_in_dim3A_426 : vector<1x8xi1>, vector<1x8xf32>
    %reduce_sum3A_428 = arith.constant dense<0.000000e+00> : vector<1xf32>
    %reduce_sum3A_429 = vector.multi_reduction <add>, %select_n3A_427, %reduce_sum3A_428 [1] : vector<1x8xf32> to vector<1xf32>
    %broadcast_in_dim3A_430 = vector.shape_cast %reduce_sum3A_429 : vector<1xf32> to vector<1x1xf32>
    %swap3A = arith.constant 0 : index
    %swap3A_431 = arith.constant 0 : index
    %swap3A_432 = vector.load %arg2[%swap3A, %swap3A_431] : memref<2048x8xf32, #tpu.memory_space<vmem>>, vector<2048x8xf32>
    tpu.vector_store %arg2[%swap3A, %swap3A_431], %dot_general3A_5 {strides = array<i32>} : memref<2048x8xf32, #tpu.memory_space<vmem>>, vector<2048x8xf32>,
    %convert_element_type3A_433 = arith.fptosi %broadcast_in_dim3A_275 : vector<2048x1xf32> to vector<2048x1xi32>
    %swap3A_434 = arith.constant 0 : index
    %swap3A_435 = arith.constant 0 : index
    %swap3A_436 = vector.load %arg3[%swap3A_434, %swap3A_435] : memref<2048x1xi32, #tpu.memory_space<vmem>>, vector<2048x1xi32>
    tpu.vector_store %arg3[%swap3A_434, %swap3A_435], %convert_element_type3A_433 {strides = array<i32>} : memref<2048x1xi32, #tpu.memory_space<vmem>>, vector<2048x1xi32>,
    %convert_element_type3A_437 = arith.fptosi %broadcast_in_dim3A_282 : vector<2048x1xf32> to vector<2048x1xi32>
    %swap3A_438 = arith.constant 0 : index
    %swap3A_439 = arith.constant 0 : index
    %swap3A_440 = vector.load %arg4[%swap3A_438, %swap3A_439] : memref<2048x1xi32, #tpu.memory_space<vmem>>, vector<2048x1xi32>
    tpu.vector_store %arg4[%swap3A_438, %swap3A_439], %convert_element_type3A_437 {strides = array<i32>} : memref<2048x1xi32, #tpu.memory_space<vmem>>, vector<2048x1xi32>,
    %swap3A_441 = arith.constant 0 : index
    %swap3A_442 = arith.constant 0 : index
    %swap3A_443 = vector.load %arg5[%swap3A_441, %swap3A_442] : memref<2048x1xf32, #tpu.memory_space<vmem>>, vector<2048x1xf32>
    tpu.vector_store %arg5[%swap3A_441, %swap3A_442], %broadcast_in_dim3A_53 {strides = array<i32>} : memref<2048x1xf32, #tpu.memory_space<vmem>>, vector<2048x1xf32>,
    %swap3A_444 = arith.constant 0 : index
    %swap3A_445 = arith.constant 0 : index
    %swap3A_446 = vector.load %arg6[%swap3A_444, %swap3A_445] : memref<2048x1xf32, #tpu.memory_space<vmem>>, vector<2048x1xf32>
    tpu.vector_store %arg6[%swap3A_444, %swap3A_445], %broadcast_in_dim3A_92 {strides = array<i32>} : memref<2048x1xf32, #tpu.memory_space<vmem>>, vector<2048x1xf32>,
    %min3A = arith.constant 7.000000e+00 : f32
    %min3A_447 = vector.broadcast %min3A : f32 to vector<1x128xf32>
    %min3A_448 = arith.minimumf %add3A_421, %min3A_447 : vector<1x128xf32>
    %convert_element_type3A_449 = arith.fptosi %min3A_448 : vector<1x128xf32> to vector<1x128xi32>
    %swap3A_450 = arith.constant 0 : index
    %swap3A_451 = arith.constant 0 : index
    %swap3A_452 = vector.load %arg7[%swap3A_450, %swap3A_451] : memref<1x128xi32, #tpu.memory_space<vmem>>, vector<1x128xi32>
    tpu.vector_store %arg7[%swap3A_450, %swap3A_451], %convert_element_type3A_449 {strides = array<i32>} : memref<1x128xi32, #tpu.memory_space<vmem>>, vector<1x128xi32>,
    %div3A_453 = arith.constant 2.560000e+02 : f32
    %div3A_454 = vector.broadcast %div3A_453 : f32 to vector<1x1xf32>
    %div3A_455 = arith.divf %broadcast_in_dim3A_430, %div3A_454 : vector<1x1xf32>
    %convert_element_type3A_456 = arith.fptosi %div3A_455 : vector<1x1xf32> to vector<1x1xi32>
    %swap3A_457 = arith.constant 0 : index
    %swap3A_458 = arith.constant 0 : index
    %swap3A_459 = vector.load %arg8[%swap3A_457, %swap3A_458] : memref<1x1xi32, #tpu.memory_space<vmem>>, vector<1x1xi32>
    tpu.vector_store %arg8[%swap3A_457, %swap3A_458], %convert_element_type3A_456 {strides = array<i32>} : memref<1x1xi32, #tpu.memory_space<vmem>>, vector<1x1xi32>,
    return
  }
}

module attributes {stable_mosaic.version = 14 : i64} {
  func.func @_combine_body(%arg0: memref<2048x1024xf32, #tpu.memory_space<vmem>>, %arg1: memref<2048x1024xf32, #tpu.memory_space<vmem>>, %arg2: memref<2048x1xf32, #tpu.memory_space<vmem>>, %arg3: memref<2048x1xf32, #tpu.memory_space<vmem>>, %arg4: memref<2048x1024xf32, #tpu.memory_space<vmem>>) attributes {dimension_semantics = [], scalar_prefetch = 0 : i64, scratch_operands = 0 : i64, tpu.core_type = #tpu.core_type<tc>} {
    %get3A = arith.constant 0 : index
    %get3A_0 = arith.constant 0 : index
    %get3A_1 = vector.load %arg2[%get3A, %get3A_0] : memref<2048x1xf32, #tpu.memory_space<vmem>>, vector<2048x1xf32>
    %get3A_2 = arith.constant 0 : index
    %get3A_3 = arith.constant 0 : index
    %get3A_4 = vector.load %arg0[%get3A_2, %get3A_3] : memref<2048x1024xf32, #tpu.memory_space<vmem>>, vector<2048x1024xf32>
    %mul3A = vector.broadcast %get3A_1 : vector<2048x1xf32> to vector<2048x1024xf32>
    %mul3A_5 = arith.mulf %mul3A, %get3A_4 : vector<2048x1024xf32>
    %get3A_6 = arith.constant 0 : index
    %get3A_7 = arith.constant 0 : index
    %get3A_8 = vector.load %arg3[%get3A_6, %get3A_7] : memref<2048x1xf32, #tpu.memory_space<vmem>>, vector<2048x1xf32>
    %get3A_9 = arith.constant 0 : index
    %get3A_10 = arith.constant 0 : index
    %get3A_11 = vector.load %arg1[%get3A_9, %get3A_10] : memref<2048x1024xf32, #tpu.memory_space<vmem>>, vector<2048x1024xf32>
    %mul3A_12 = vector.broadcast %get3A_8 : vector<2048x1xf32> to vector<2048x1024xf32>
    %mul3A_13 = arith.mulf %mul3A_12, %get3A_11 : vector<2048x1024xf32>
    %add3A = arith.addf %mul3A_5, %mul3A_13 : vector<2048x1024xf32>
    %swap3A = arith.constant 0 : index
    %swap3A_14 = arith.constant 0 : index
    %swap3A_15 = vector.load %arg4[%swap3A, %swap3A_14] : memref<2048x1024xf32, #tpu.memory_space<vmem>>, vector<2048x1024xf32>
    tpu.vector_store %arg4[%swap3A, %swap3A_14], %add3A {strides = array<i32>} : memref<2048x1024xf32, #tpu.memory_space<vmem>>, vector<2048x1024xf32>,
    return
  }
}

module attributes {stable_mosaic.version = 14 : i64} {
  func.func @_group_body(%arg0: i32, %arg1: i32, %arg2: memref<128xi32, #tpu.memory_space<smem>>, %arg3: memref<1xi32, #tpu.memory_space<smem>>, %arg4: memref<256x1024xf32, #tpu.memory_space<vmem>>, %arg5: memref<1x1024x1024xf32, #tpu.memory_space<vmem>>, %arg6: memref<1x1024x1024xf32, #tpu.memory_space<vmem>>, %arg7: memref<1x1024x1024xf32, #tpu.memory_space<vmem>>, %arg8: memref<256x1024xf32, #tpu.memory_space<vmem>>) attributes {dimension_semantics = [#tpu.dimension_semantics<arbitrary>, #tpu.dimension_semantics<arbitrary>], iteration_bounds = array<i64: 23, 2>, scalar_prefetch = 2 : i64, scratch_operands = 0 : i64, tpu.core_type = #tpu.core_type<tc>, window_params = [{transform_indices = @transform_0, window_bounds = array<i64: 256, 1024>}, {transform_indices = @transform_1, window_bounds = array<i64: 1, 1024, 1024>}, {transform_indices = @transform_2, window_bounds = array<i64: 1, 1024, 1024>}, {transform_indices = @transform_3, window_bounds = array<i64: 1, 1024, 1024>}, {transform_indices = @transform_4, window_bounds = array<i64: 256, 1024>}]} {
    %get3A = arith.constant 0 : index
    %get3A_0 = memref.load %arg3[%get3A] : memref<1xi32, #tpu.memory_space<smem>>
    %lt3A = arith.cmpi slt, %arg0, %get3A_0 : i32
    %convert_element_type3A = arith.extui %lt3A : i1 to i32
    %cond3A = arith.constant 0 : i32
    %cond3A_1 = arith.cmpi ne, %convert_element_type3A, %cond3A : i32
    scf.if %cond3A_1 {
      %get3A_2 = arith.constant 0 : index
      %get3A_3 = arith.constant 0 : index
      %get3A_4 = vector.load %arg4[%get3A_2, %get3A_3] : memref<256x1024xf32, #tpu.memory_space<vmem>>, vector<256x1024xf32>
      %get3A_5 = arith.constant 0 : index
      %get3A_6 = arith.constant 0 : index
      %get3A_7 = arith.constant 0 : index
      %get3A_8 = vector.load %arg5[%get3A_5, %get3A_6, %get3A_7] : memref<1x1024x1024xf32, #tpu.memory_space<vmem>>, vector<1x1024x1024xf32>
      %get3A_9 = vector.shape_cast %get3A_8 : vector<1x1024x1024xf32> to vector<1024x1024xf32>
      %transpose3A = tpu.transpose %get3A_9, [1, 0] : vector<1024x1024xf32> -> vector<1024x1024xf32>
      %dot_general3A = arith.constant dense<0.000000e+00> : vector<256x1024xf32>
      %dot_general3A_10 = tpu.matmul %get3A_4, %transpose3A, %dot_general3A {dimension_numbers = #tpu.dot_dimension_numbers<[1], [0], [0], [1], [0, 0, 1, 1], [], []>, transpose_lhs_hint = false} : vector<256x1024xf32>, vector<1024x1024xf32>, vector<256x1024xf32> -> vector<256x1024xf32>
      %get3A_11 = arith.constant 0 : index
      %get3A_12 = arith.constant 0 : index
      %get3A_13 = arith.constant 0 : index
      %get3A_14 = vector.load %arg6[%get3A_11, %get3A_12, %get3A_13] : memref<1x1024x1024xf32, #tpu.memory_space<vmem>>, vector<1x1024x1024xf32>
      %get3A_15 = vector.shape_cast %get3A_14 : vector<1x1024x1024xf32> to vector<1024x1024xf32>
      %transpose3A_16 = tpu.transpose %get3A_15, [1, 0] : vector<1024x1024xf32> -> vector<1024x1024xf32>
      %dot_general3A_17 = arith.constant dense<0.000000e+00> : vector<256x1024xf32>
      %dot_general3A_18 = tpu.matmul %get3A_4, %transpose3A_16, %dot_general3A_17 {dimension_numbers = #tpu.dot_dimension_numbers<[1], [0], [0], [1], [0, 0, 1, 1], [], []>, transpose_lhs_hint = false} : vector<256x1024xf32>, vector<1024x1024xf32>, vector<256x1024xf32> -> vector<256x1024xf32>
      %logistic3A = arith.negf %dot_general3A_10 : vector<256x1024xf32>
      %logistic3A_19 = math.exp %logistic3A : vector<256x1024xf32>
      %logistic3A_20 = arith.constant 1.000000e+00 : f32
      %logistic3A_21 = vector.broadcast %logistic3A_20 : f32 to vector<256x1024xf32>
      %logistic3A_22 = arith.addf %logistic3A_21, %logistic3A_19 : vector<256x1024xf32>
      %logistic3A_23 = arith.divf %logistic3A_21, %logistic3A_22 : vector<256x1024xf32>
      %mul3A = arith.mulf %dot_general3A_10, %logistic3A_23 : vector<256x1024xf32>
      %mul3A_24 = arith.mulf %mul3A, %dot_general3A_18 : vector<256x1024xf32>
      %get3A_25 = arith.constant 0 : index
      %get3A_26 = arith.constant 0 : index
      %get3A_27 = arith.constant 0 : index
      %get3A_28 = vector.load %arg7[%get3A_25, %get3A_26, %get3A_27] : memref<1x1024x1024xf32, #tpu.memory_space<vmem>>, vector<1x1024x1024xf32>
      %get3A_29 = vector.shape_cast %get3A_28 : vector<1x1024x1024xf32> to vector<1024x1024xf32>
      %transpose3A_30 = tpu.transpose %get3A_29, [1, 0] : vector<1024x1024xf32> -> vector<1024x1024xf32>
      %dot_general3A_31 = arith.constant dense<0.000000e+00> : vector<256x1024xf32>
      %dot_general3A_32 = tpu.matmul %mul3A_24, %transpose3A_30, %dot_general3A_31 {dimension_numbers = #tpu.dot_dimension_numbers<[1], [0], [0], [1], [0, 0, 1, 1], [], []>, transpose_lhs_hint = false} : vector<256x1024xf32>, vector<1024x1024xf32>, vector<256x1024xf32> -> vector<256x1024xf32>
      %eq3A = arith.constant 0 : i32
      %eq3A_33 = arith.cmpi eq, %arg1, %eq3A : i32
      %convert_element_type3A_34 = arith.extui %eq3A_33 : i1 to i32
      %cond3A_35 = arith.constant 0 : i32
      %cond3A_36 = arith.cmpi ne, %convert_element_type3A_34, %cond3A_35 : i32
      scf.if %cond3A_36 {
        %swap3A = arith.constant 0 : index
        %swap3A_41 = arith.constant 0 : index
        %swap3A_42 = vector.load %arg8[%swap3A, %swap3A_41] : memref<256x1024xf32, #tpu.memory_space<vmem>>, vector<256x1024xf32>
        tpu.vector_store %arg8[%swap3A, %swap3A_41], %dot_general3A_32 {strides = array<i32>} : memref<256x1024xf32, #tpu.memory_space<vmem>>, vector<256x1024xf32>,
      } else {
      }
      %gt3A = arith.constant 0 : i32
      %gt3A_37 = arith.cmpi sgt, %arg1, %gt3A : i32
      %convert_element_type3A_38 = arith.extui %gt3A_37 : i1 to i32
      %cond3A_39 = arith.constant 0 : i32
      %cond3A_40 = arith.cmpi ne, %convert_element_type3A_38, %cond3A_39 : i32
      scf.if %cond3A_40 {
        %get3A_41 = arith.constant 0 : index
        %get3A_42 = arith.constant 0 : index
        %get3A_43 = vector.load %arg8[%get3A_41, %get3A_42] : memref<256x1024xf32, #tpu.memory_space<vmem>>, vector<256x1024xf32>
        %add3A = arith.addf %get3A_43, %dot_general3A_32 : vector<256x1024xf32>
        %swap3A = arith.constant 0 : index
        %swap3A_44 = arith.constant 0 : index
        %swap3A_45 = vector.load %arg8[%swap3A, %swap3A_44] : memref<256x1024xf32, #tpu.memory_space<vmem>>, vector<256x1024xf32>
        tpu.vector_store %arg8[%swap3A, %swap3A_44], %add3A {strides = array<i32>} : memref<256x1024xf32, #tpu.memory_space<vmem>>, vector<256x1024xf32>,
      } else {
      }
    } else {
    }
    return
  }
  func.func @transform_0(%arg0: i32, %arg1: i32, %arg2: memref<128xi32, #tpu.memory_space<smem>>, %arg3: memref<1xi32, #tpu.memory_space<smem>>) -> (i32, i32) {
    %c0_i32 = arith.constant 0 : i32
    %c0_i32_0 = arith.constant 0 : i32
    return %arg0, %c0_i32 : i32, i32
  }
  func.func @transform_1(%arg0: i32, %arg1: i32, %arg2: memref<128xi32, #tpu.memory_space<smem>>, %arg3: memref<1xi32, #tpu.memory_space<smem>>) -> (i32, i32, i32) {
    %get3A = arith.index_cast %arg0 : i32 to index
    %get3A_0 = memref.load %arg2[%get3A] : memref<128xi32, #tpu.memory_space<smem>>
    %c0_i32 = arith.constant 0 : i32
    %c0_i32_1 = arith.constant 0 : i32
    return %get3A_0, %arg1, %c0_i32 : i32, i32, i32
  }
  func.func @transform_2(%arg0: i32, %arg1: i32, %arg2: memref<128xi32, #tpu.memory_space<smem>>, %arg3: memref<1xi32, #tpu.memory_space<smem>>) -> (i32, i32, i32) {
    %get3A = arith.index_cast %arg0 : i32 to index
    %get3A_0 = memref.load %arg2[%get3A] : memref<128xi32, #tpu.memory_space<smem>>
    %c0_i32 = arith.constant 0 : i32
    %c0_i32_1 = arith.constant 0 : i32
    return %get3A_0, %arg1, %c0_i32 : i32, i32, i32
  }
  func.func @transform_3(%arg0: i32, %arg1: i32, %arg2: memref<128xi32, #tpu.memory_space<smem>>, %arg3: memref<1xi32, #tpu.memory_space<smem>>) -> (i32, i32, i32) {
    %get3A = arith.index_cast %arg0 : i32 to index
    %get3A_0 = memref.load %arg2[%get3A] : memref<128xi32, #tpu.memory_space<smem>>
    %c0_i32 = arith.constant 0 : i32
    %c0_i32_1 = arith.constant 0 : i32
    return %get3A_0, %c0_i32, %arg1 : i32, i32, i32
  }
  func.func @transform_4(%arg0: i32, %arg1: i32, %arg2: memref<128xi32, #tpu.memory_space<smem>>, %arg3: memref<1xi32, #tpu.memory_space<smem>>) -> (i32, i32) {
    %c0_i32 = arith.constant 0 : i32
    %c0_i32_0 = arith.constant 0 : i32
    return %arg0, %c0_i32 : i32, i32
  }
}

</mosaic_0001>

<sc_bundles>
// kernel: kernel.10.cloned.1.call-start
scs
__scs_entry_jumppad:
0x0: {  	(pc) =	sbr.rel $0x88, $3  }
0x1: {  	(tag) =	ssettag $0x0;
	lr =	simm.s32 $0x1  }
0x2: {  	[smem:$0x3F9C] =	sst lr;
	_ =	strace $0xD0000000  }
0x3: {  	_ = 	snop  }
0x4: {  	_ = 	snop  }
0x5: {  	_ = 	snop  }
0x6: {  	_ = 	snop  }
0x7: {  	_ = 	snop  }
__scs_overlays_trampoline_lowered:
0x8: {  	[smem:$0x3FAB] =	sst s0  }
0x9: {  	[smem:$0x3FAC] =	sst s1  }
0xa: {  	[smem:$0x3FAD] =	sst s2  }
0xb: {  	[smem:$0x3FAE] =	sst s3  }
0xc: {  	[smem:$0x3FAF] =	sst s4  }
0xd: {  	[smem:$0x3FB0] =	sst s5  }
0xe: {  	[smem:$0x3FB1] =	sst s6  }
0xf: {  	[smem:$0x3FB2] =	sst s7  }
0x10: {  	[smem:$0x3FB3] =	sst s8  }
0x11: {  	[smem:$0x3FB4] =	sst s9;
	s0 =	simm.s32 @!p0 $0x0  }
0x12: {  	s1 =	sld [smem:$0x3F9A];
	s0 =	simm.s32 @p0 $0x1  }
0x13: {  	[smem:$0x3FB5] =	sst s0;
	s0 =	simm.s32 @!p1 $0x0  }
0x14: {  	s2 =	sld [smem:$0x3F99];
	s0 =	simm.s32 @p1 $0x1  }
0x15: {  	[smem:$0x3FB6] =	sst s0;
	s0 =	simm.s32 @!p2 $0x0  }
0x16: {  	s3 =	sld [smem:$0x3FDB];
	s0 =	simm.s32 @p2 $0x1  }
0x17: {  	s4 =	simm.s32 $0x1BF5;
	[smem:$0x3FB8] =	sst s0  }
0x18: {  	s0 =	sld [smem:$0x3F9B];
	_ =	swait.ge [sflag:s4], $0x0  }
0x19: {  	s7 =	sld [smem:$0x3F9C]  }
0x1a: {  	s8 =	sadd.s32 $0xFFFFE003, lr  }
0x1b: {  	s9 =	sadd.s32 $0xFFFFFEF7, lr;
	s5 =	simm.s32 $0xFFFFFFFF;
	p2 =	slt.u32 s8, $0xFFFFF086  }
0x1c: {  	p1 =	slt.u32 s9, $0xF7A;
	s5 =	simm.s32 @!p2 $0x0  }
0x1d: {  	s5 =	simm.s32 @p1 $0x1;
	p0 =	seq.s32 s7, s2  }
0x1e: {  	s7 =	smul.u32 @!p0 $0xF7A, s2;
	p2 =	seq.s32 @!p0 s5, $0x0  }
0x1f: {  	s9 =	smul.u32 $0xF7A, s1;
	s8 =	simm.s32 @!p0 $0x1BF5;
	p2 =	por !p2, p0  }
0x20: {  	[sflag:s8] =	ssyncset.s32 @!p0 $0xFFFFF086;
	s6 =	sadd.s32 @!p0 s3, s7;
	s7 =	simm.s32 @!p0 $0x108  }
0x21: {  	s3 =	sadd.s32 s3, s9;
	s6 =	sadd.s32 @!p0 $0x88, s6;
	s7 =	simm.s32 @p2 $0x1082  }
0x22: {  	[simem:s7], [sflag:s8] =	dma.local @!p0 [hbm:s6], $0xF7A  }
0x23: {  	s9 =	sor.u32 $0xD0000000, s2;
	s6 =	simm.s32 $0x108;
	_ =	swait.ge @!p0 [sflag:s8], $0x0  }
0x24: {  	s3 =	sadd.s32 $0x88, s3;
	s6 =	simm.s32 @!p1 $0x1082;
	[sflag:s4] =	ssyncset.s32 $0xFFFFF086  }
0x25: {  	[simem:s6], [sflag:s4] =	dma.local [hbm:s3], $0xF7A  }
0x26: {  	[smem:$0x3F9C] =	sst s1;
	(tag) =	ssettag s2;
	_ =	strace s9  }
0x27: {  	s1 =	sld [smem:$0x3FAC]  }
0x28: {  	s2 =	sld [smem:$0x3FAD]  }
0x29: {  	s4 =	sld [smem:$0x3FAF]  }
0x2a: {  	p0 =	seq.s32 s5, $0x0;
	s5 =	sld [smem:$0x3FB0]  }
0x2b: {  	s6 =	sld [smem:$0x3FB1]  }
0x2c: {  	s7 =	sld [smem:$0x3FB2]  }
0x2d: {  	s3 =	simm.s32 $0x108;
	s8 =	sld [smem:$0x3FB3]  }
0x2e: {  	s3 =	simm.s32 @!p0 $0x1082;
	s9 =	sld [smem:$0x3FB4]  }
0x2f: {  	lr =	sadd.s32 s0, s3;
	s0 =	sld [smem:$0x3FAB]  }
0x30: {  	s3 =	sld [smem:$0x3FAE]  }
0x31: {  	[smem:$0x3FB7] =	sst s10  }
0x32: {  	s10 =	sld [smem:$0x3FB5];
	_ =	sdelay $0x3  }
0x33: {  	p0 =	seq.s32 s10, $0x1;
	s10 =	sld [smem:$0x3FB7];
	_ =	sdelay $0x3  }
0x34: {  	[smem:$0x3FB7] =	sst s10  }
0x35: {  	s10 =	sld [smem:$0x3FB6];
	_ =	sdelay $0x3  }
0x36: {  	p1 =	seq.s32 s10, $0x1;
	s10 =	sld [smem:$0x3FB7];
	_ =	sdelay $0x3  }
0x37: {  	[smem:$0x3FB7] =	sst s10  }
0x38: {  	s10 =	sld [smem:$0x3FB8]  }
0x39: {  	_ = 	snop;
	(pc) =	sbr.ind lr, $3  }
0x3a: {  	_ = 	snop  }
0x3b: {  	_ = 	snop  }
0x3c: {  	p2 =	seq.s32 s10, $0x1;
	s10 =	sld [smem:$0x3FB7]  }
0x3d: {  	_ =	shalt  }
0x3e: {  	_ =	shalt  }
0x3f: {  	_ =	shalt  }
0x40: {  	_ =	shalt  }
0x41: {  	_ =	shalt  }
0x42: {  	_ =	shalt  }
0x43: {  	_ =	shalt  }
0x44: {  	_ =	shalt  }
0x45: {  	_ =	shalt  }
0x46: {  	_ =	shalt  }
0x47: {  	_ =	shalt  }
0x48: {  	_ =	shalt  }
0x49: {  	_ =	shalt  }
0x4a: {  	_ =	shalt  }
0x4b: {  	_ =	shalt  }
0x4c: {  	_ =	shalt  }
0x4d: {  	_ =	shalt  }
0x4e: {  	_ =	shalt  }
0x4f: {  	_ =	shalt  }
0x50: {  	_ =	shalt  }
0x51: {  	_ =	shalt  }
0x52: {  	_ =	shalt  }
0x53: {  	_ =	shalt  }
0x54: {  	_ =	shalt  }
0x55: {  	_ =	shalt  }
0x56: {  	_ =	shalt  }
0x57: {  	_ =	shalt  }
0x58: {  	_ =	shalt  }
0x59: {  	_ =	shalt  }
0x5a: {  	_ =	shalt  }
0x5b: {  	_ =	shalt  }
0x5c: {  	_ =	shalt  }
0x5d: {  	_ =	shalt  }
0x5e: {  	_ =	shalt  }
0x5f: {  	_ =	shalt  }
0x60: {  	_ =	shalt  }
0x61: {  	_ =	shalt  }
0x62: {  	_ =	shalt  }
0x63: {  	_ =	shalt  }
0x64: {  	_ =	shalt  }
0x65: {  	_ =	shalt  }
0x66: {  	_ =	shalt  }
0x67: {  	_ =	shalt  }
0x68: {  	_ =	shalt  }
0x69: {  	_ =	shalt  }
0x6a: {  	_ =	shalt  }
0x6b: {  	_ =	shalt  }
0x6c: {  	_ =	shalt  }
0x6d: {  	_ =	shalt  }
0x6e: {  	_ =	shalt  }
0x6f: {  	_ =	shalt  }
0x70: {  	_ =	shalt  }
0x71: {  	_ =	shalt  }
0x72: {  	_ =	shalt  }
0x73: {  	_ =	shalt  }
0x74: {  	_ =	shalt  }
0x75: {  	_ =	shalt  }
0x76: {  	_ =	shalt  }
0x77: {  	_ =	shalt  }
0x78: {  	_ =	shalt  }
0x79: {  	_ =	shalt  }
0x7a: {  	_ =	shalt  }
0x7b: {  	_ =	shalt  }
0x7c: {  	_ =	shalt  }
0x7d: {  	_ =	shalt  }
0x7e: {  	_ =	shalt  }
0x7f: {  	_ =	shalt  }
0x80: {  	_ =	shalt  }
0x81: {  	_ =	shalt  }
0x82: {  	_ =	shalt  }
0x83: {  	_ =	shalt  }
0x84: {  	_ =	shalt  }
0x85: {  	_ =	shalt  }
0x86: {  	_ =	shalt  }
0x87: {  	_ =	shalt  }
.Lfunc_end0:
.L_simem_size_0:
called_computation.1_lowered:
.L_overlay_start_0:
0x88: {  	s2 =	sld [smem:$0x3FD9]  }
0x89: {  	s3 =	sld [smem:$0x3FFE];
	_ =	sdelay $0x1  }
0x8a: {  	s1 =	srdreg.scid  }
0x8b: {  	s0 =	sand.u32 $0x1, s1  }
0x8c: {  	s14 =	sshll.u32 s0, $0xA;
	s2 =	sadd.s32 s3, s2  }
0x8d: {  	s2 =	sadd.s32 s2, s14  }
0x8e: {  	[smem:$0x3FC3] =	sst s2  }
0x8f: {  	_ = 	snop  }
0x90: {  	s2 =	sld [smem:$0x3FD0];
	_ =	sdelay $0x2  }
0x91: {  	s15 =	simm.s32 $0xA;
	s4 =	simm.s32 $0x10  }
0x92: {  	[smem:s4], [sflag:s15] =	dma.local [hbm:s2], $0x1  }
0x93: {  	_ =	swait.eq [sflag:s15], $0x1  }
0x94: {  	[sflag:s15] =	ssyncset.done $0x0  }
0x95: {  	[sflag:s15] =	ssyncadd.s32 $0xFFFFFFFF  }
0x96: {  	s16 =	sld [smem:$0x10];
	(tm) =	ssettm $0x1  }
0x97: {  	s17 =	sld [smem:$0x3FFB];
	_ =	sdelay $0x3  }
0x98: {  	_ =	strace s17  }
0x99: {  	s3 =	sld [smem:$0x3FFC];
	_ =	sdelay $0x3  }
0x9a: {  	_ =	strace s3  }
0x9b: {  	s3 =	sld [smem:$0x3FFD];
	_ =	sdelay $0x3  }
0x9c: {  	_ =	strace s3  }
0x9d: {  	_ =	strace $0x8FFFFFFF  }
0x9e: {  	s18 =	sld [smem:$0x3FDB];
	_ =	sdelay $0x1  }
0x9f: {  	s19 =	simm.s32 $_scs_section_size  }
0xa0: {  	s5 =	simm.s32 $_size__tile_overlayer_lowered;
	s6 =	simm.s32 $_tile_overlayer_lowered  }
0xa1: {  	s22 =	simm.s32 $0x1BFF;
	s21 =	sshll.u32 s6, $0x1;
	s3 =	sadd.s32 s19, s18  }
0xa2: {  	s7 =	simm.s32 $0x0;
	s20 =	sshll.u32 s5, $0x1;
	s5 =	sadd.s32 s21, s3  }
0xa3: {  	[timem:s7], [sflag:s22] =	dma.local [hbm:s5], s20  }
0xa4: {  	_ =	swait.ge [sflag:s22], s20  }
0xa5: {  	s4 =	ssub.s32 $0x0, s20;
	[sflag:s22] =	ssyncset.done $0x0  }
0xa6: {  	[sflag:s22] =	ssyncadd.s32 s4;
	_ =	sdelay $0x1  }
0xa7: {  	s23 =	simm.s32 $0x1B8B  }
0xa8: {  	_ =	swait.ge [sflag:s23], $0x1  }
0xa9: {  	[sflag:s23] =	ssyncset.done $0x0  }
0xaa: {  	s25 =	simm.s32 $0x1B8E;
	s24 =	sld [smem:$0x3FFE];
	[sflag:s23] =	ssyncadd.s32 $0xFFFFFFFF  }
0xab: {  	s26 =	simm.s32 $execute0_lowered;
	[smem:$0x3FD2] =	sst s25  }
0xac: {  	s5 =	sshll.u32 s26, $0x1;
	_ =	strace $0x80000049;
	[dreg:$0x1] =	wrdreg $0xFFFFFFFF  }
0xad: {  	s28 =	simm.s32 $_size_execute0_lowered;
	s3 =	sadd.s32 s3, s5;
	[dreg:$0x0] =	wrdreg $0x0  }
0xae: {  	s5 =	sshll.u32 s28, $0x1;
	[dreg:$0x2] =	wrdreg s3  }
0xaf: {  	[dreg:$0x3] =	wrdreg s5  }
0xb0: {  	[dreg:$0x4] =	wrdreg $0xC0  }
0xb1: {  	_ =	task [dreg:s7], $0x5FFFF  }
0xb2: {  	[dreg:$0x1] =	wrdreg $0xFFFFFFFF  }
0xb3: {  	[dreg:$0x0] =	wrdreg $0x60  }
0xb4: {  	[dreg:$0x2] =	wrdreg s24  }
0xb5: {  	[dreg:$0x3] =	wrdreg s16  }
0xb6: {  	[dreg:$0x4] =	wrdreg $0x9  }
0xb7: {  	_ =	task.clear_ibuf [dreg:s7], $0x5FFFF;
	_ =	strace $0x90000049  }
0xb8: {  	s29 =	simm.s32 $0x9;
	_ =	strace $0x8000004B  }
0xb9: {  	_ =	swait.ge [sflag:s29], $0x1  }
0xba: {  	[sflag:s29] =	ssyncadd.s32 $0xFFFFFFFF  }
0xbb: {  	_ =	strace $0x9000004B  }
0xbc: {  	_ =	sfence  }
0xbd: {  	s30 =	sld [smem:$0x0];
	_ =	sdelay $0x2  }
0xbe: {  	s31 =	sshll.u32 s1, $0xD;
	s1 =	sshrl.u32 s1, $0x2  }
0xbf: {  	s3 =	sand.u32 $0x4000, s31;
	s1 =	sadd.s32 s1, s30  }
0xc0: {  	s0 =	sor.u32 s3, s0;
	s1 =	sshll.u32 s1, $0x11  }
0xc1: {  	s0 =	sor.u32 s1, s0  }
0xc2: {  	s0 =	sadd.s32 $0x8F2B, s0  }
0xc3: {  	[sflag:s0] =	ssyncadd.remote.s32 $0x1  }
0xc4: {  	_ =	sfence.sel $0xFFFF  }
0xc5: {  	[dreg:$0x0] =	wrdreg $0xFFFFFFFF;
	(pc) =	sbr.abs _section_cstart, $3  }
0xc6: {  	[dreg:$0x1] =	wrdreg $0xFFFFFFFF  }
0xc7: {  	_ =	task.clear_ibuf [dreg:s7], $0x2FFFF;
	_ =	strace $0x9FFFFFFF  }
0xc8: {  	(tm) =	ssettm $0x7FFFFFFF  }
0xc9: {  	_ =	shalt  }
tec
execute0_lowered:
.L_overlay_start_1:
0x0: {  	(tag) =	ssettag $0x1  }
0x1: {  	s0 =	rddreg [dreg:$0x0]  }
0x2: {  	s10 =	rddreg [dreg:$0x1];
	s2 =	simm.s32 $0x0;
	s3 =	srdreg.scid  }
0x3: {  	s1 =	stileid.u32;
	s16 =	simm.s32 $0x800;
	s17 =	simm.s32 $0x1000  }
0x4: {  	s18 =	simm.s32 $0x1800;
	s19 =	simm.s32 $0x2000;
	s20 =	simm.s32 $0x2800  }
0x5: {  	s21 =	simm.s32 $0x3000;
	s22 =	simm.s32 $0x3800;
	s28 =	simm.s32 $0x6000  }
0x6: {  	s29 =	simm.s32 $0x6800;
	s30 =	simm.s32 $0x7000;
	s31 =	simm.s32 $0x7800  }
0x7: {  	[smem:$0x7FF] =	sst s2;
	s4 =	sand.u32 $0x1, s3;
	s5 =	sshll.u32 s1, $0x7  }
0x8: {  	s3 =	sadd.s32 $0xB9000, s0;
	s9 =	sadd.s32 $0xC00, s0;
	s11 =	sadd.s32 $0xE00, s0  }
0x9: {  	s12 =	sadd.s32 $0x1000, s0;
	s6 =	sshll.u32 s4, $0x6;
	s4 =	ssub.s32 $0x2, s4  }
0xa: {  	_ =	strace $0x8000004A;
	s7 =	sor.u32 s6, s5;
	s23 =	sshrl.u32 s4, $0x1  }
0xb: {  	s5 =	sadd.s32 $0xB9200, s0;
	s6 =	sadd.s32 $0xB9300, s0;
	s8 =	sshrl.u32 s7, $0x3  }
0xc: {  	s13 =	ssub.s32 s4, s23;
	s14 =	sshll.u32 s7, $0x7;
	s4 =	sadd.s32 $0xB9100, s0  }
0xd: {  	s25 =	sor.u32 $0x20, s7;
	s23 =	simm.s32 $0x4000;
	s24 =	sadd.s32 s9, s8  }
0xe: {  	s15 =	sadd.s32 s10, s14;
	s7 =	sadd.s32 s11, s8;
	s26 =	sshrl.u32 s25, $0x3  }
0xf: {  	s0 =	sshll.u32 s25, $0x7;
	s8 =	sadd.s32 s12, s14;
	s13 =	smax.u32 s13, $0x1  }
0x10: {  	s14 =	simm.s32 $0x8000;
	s25 =	simm.s32 $0x5000;
	[dreg:$0x3] =	wrdreg s24  }
0x11: {  	v2 =	vlaneseq.u32;
	[dreg:$0x4] =	wrdreg s15;
	s9 =	sadd.s32 s9, s26;
	s10 =	sadd.s32 s10, s0  }
0x12: {  	vm0 =	vmmov $0xffff;
	v1 =	vshrl.u32 v2, $0x3;
	s11 =	sadd.s32 s11, s26;
	s12 =	sadd.s32 s12, s0;
	s15 =	simm.s32 $0x2  }
0x13: {  	v0 =	vand.u32 $0x7, v2;
	v2 =	vor.u32 $0x8, v2;
	v1 =	vmul.u32 $0x8, v1;
	s24 =	simm.s32 $0x4800;
	s26 =	simm.s32 $0x5800;
	s0 =	simm.s32 $0x1  }
.LBB2_1:
0x14: {  	s1 =	rddreg [dreg:$0x3]  }
0x15: {  	[tilespmem:s14], [sflag:$0x2] =	stream.linear.gather [hbm4b:s1+s2], $0x20, $0x38;
	[tilespmem:$0x8080] =	vst v63  }
0x16: {  	_ =	swait.ge [sflag:s15], $0x20  }
0x17: {  	[sflag:s15] =	ssyncset.done $0x0  }
0x18: {  	[sflag:s15] =	ssyncadd.s32 $0xFFFFFFE0  }
0x19: {  	v3 =	vld [tilespmem:$0x8000];
	_ =	sdelay $0x4  }
0x1a: {  	v4 =	vshll.u32 v3, $0x3  }
0x1b: {  	v3 =	vand.u32 $0x7, v3;
	v4 =	vand.u32 $0xFFFFFFC0, v4  }
0x1c: {  	v3 =	vor.u32 v3, v4  }
0x1d: {  	v4 =	vperm.xlane v3, v0;
	_ =	sdelay $0x1  }
0x1e: {  	v4 =	vadd.s32 v1, v4;
	_ =	sdelay $0x4  }
0x1f: {  	[tilespmem:s2], [sflag:$0x1] =	stream.indirect_vreg.gather [hbm4b:s3+s2], $0x80, v4, vm0, $0xb8;
	[tilespmem:$0x8080] =	vst v63  }
0x20: {  	v3 =	vperm.xlane v3, v2  }
0x21: {  	[tilespmem:s16], [sflag:$0x1] =	stream.indirect_vreg.gather [hbm4b:s4+s2], $0x80, v4, vm0, $0xb8;
	[tilespmem:$0x8080] =	vst v63  }
0x22: {  	v3 =	vadd.s32 v1, v3  }
0x23: {  	[tilespmem:s17], [sflag:$0x1] =	stream.indirect_vreg.gather [hbm4b:s5+s2], $0x80, v4, vm0, $0xb8;
	[tilespmem:$0x8080] =	vst v63  }
0x24: {  	_ = 	snop  }
0x25: {  	[tilespmem:s18], [sflag:$0x1] =	stream.indirect_vreg.gather [hbm4b:s6+s2], $0x80, v4, vm0, $0xb8;
	[tilespmem:$0x8080] =	vst v63  }
0x26: {  	_ = 	snop  }
0x27: {  	[tilespmem:s19], [sflag:$0x1] =	stream.indirect_vreg.gather [hbm4b:s3+s2], $0x80, v3, vm0, $0xb8;
	[tilespmem:$0x8080] =	vst v63  }
0x28: {  	_ = 	snop  }
0x29: {  	[tilespmem:s20], [sflag:$0x1] =	stream.indirect_vreg.gather [hbm4b:s4+s2], $0x80, v3, vm0, $0xb8;
	[tilespmem:$0x8080] =	vst v63  }
0x2a: {  	_ = 	snop  }
0x2b: {  	[tilespmem:s21], [sflag:$0x1] =	stream.indirect_vreg.gather [hbm4b:s5+s2], $0x80, v3, vm0, $0xb8;
	[tilespmem:$0x8080] =	vst v63  }
0x2c: {  	_ = 	snop  }
0x2d: {  	[tilespmem:s22], [sflag:$0x1] =	stream.indirect_vreg.gather [hbm4b:s6+s2], $0x80, v3, vm0, $0xb8;
	[tilespmem:$0x8080] =	vst v63  }
0x2e: {  	v3 =	vld [tilespmem:$0x8010];
	_ =	sdelay $0x4  }
0x2f: {  	v57 =	vshll.u32 v3, $0x3  }
0x30: {  	v3 =	vand.u32 $0x7, v3;
	v4 =	vand.u32 $0xFFFFFFC0, v57  }
0x31: {  	v3 =	vor.u32 v3, v4  }
0x32: {  	v4 =	vperm.xlane v3, v0;
	_ =	sdelay $0x1  }
0x33: {  	v4 =	vadd.s32 v1, v4;
	_ =	sdelay $0x4  }
0x34: {  	[tilespmem:s23], [sflag:$0x1] =	stream.indirect_vreg.gather [hbm4b:s3+s2], $0x80, v4, vm0, $0xb8;
	[tilespmem:$0x8080] =	vst v63  }
0x35: {  	v3 =	vperm.xlane v3, v2  }
0x36: {  	[tilespmem:s24], [sflag:$0x1] =	stream.indirect_vreg.gather [hbm4b:s4+s2], $0x80, v4, vm0, $0xb8;
	[tilespmem:$0x8080] =	vst v63  }
0x37: {  	v3 =	vadd.s32 v1, v3  }
0x38: {  	[tilespmem:s25], [sflag:$0x1] =	stream.indirect_vreg.gather [hbm4b:s5+s2], $0x80, v4, vm0, $0xb8;
	[tilespmem:$0x8080] =	vst v63  }
0x39: {  	_ = 	snop  }
0x3a: {  	[tilespmem:s26], [sflag:$0x1] =	stream.indirect_vreg.gather [hbm4b:s6+s2], $0x80, v4, vm0, $0xb8;
	[tilespmem:$0x8080] =	vst v63  }
0x3b: {  	_ = 	snop  }
0x3c: {  	[tilespmem:s28], [sflag:$0x1] =	stream.indirect_vreg.gather [hbm4b:s3+s2], $0x80, v3, vm0, $0xb8;
	[tilespmem:$0x8080] =	vst v63  }
0x3d: {  	_ = 	snop  }
0x3e: {  	[tilespmem:s29], [sflag:$0x1] =	stream.indirect_vreg.gather [hbm4b:s4+s2], $0x80, v3, vm0, $0xb8;
	[tilespmem:$0x8080] =	vst v63  }
0x3f: {  	_ = 	snop  }
0x40: {  	[tilespmem:s30], [sflag:$0x1] =	stream.indirect_vreg.gather [hbm4b:s5+s2], $0x80, v3, vm0, $0xb8;
	[tilespmem:$0x8080] =	vst v63  }
0x41: {  	_ = 	snop  }
0x42: {  	[tilespmem:s31], [sflag:$0x1] =	stream.indirect_vreg.gather [hbm4b:s6+s2], $0x80, v3, vm0, $0xb8;
	[tilespmem:$0x8080] =	vst v63  }
0x43: {  	_ =	swait.ge [sflag:s0], $0x8000  }
0x44: {  	[sflag:s0] =	ssyncset.done $0x0  }
0x45: {  	s1 =	rddreg [dreg:$0x4];
	[sflag:s0] =	ssyncadd.s32 $0xFFFF8000  }
0x46: {  	[hbm4b:s1+s2] =	stream.linear.scatter [tilespmem:s2], [sflag:$0x2], $0x8000, $0x38;
	[tilespmem:$0x8080] =	vst v63  }
0x47: {  	_ =	swait.ge [sflag:s15], $0x8000  }
0x48: {  	[sflag:s15] =	ssyncset.done $0x0  }
0x49: {  	[sflag:s15] =	ssyncadd.s32 $0xFFFF8000  }
0x4a: {  	[tilespmem:s14], [sflag:$0x2] =	stream.linear.gather [hbm4b:s7+s2], $0x20, $0x38;
	[tilespmem:$0x8080] =	vst v63  }
0x4b: {  	_ =	swait.ge [sflag:s15], $0x20  }
0x4c: {  	[sflag:s15] =	ssyncset.done $0x0  }
0x4d: {  	[sflag:s15] =	ssyncadd.s32 $0xFFFFFFE0  }
0x4e: {  	v3 =	vld [tilespmem:$0x8000];
	_ =	sdelay $0x4  }
0x4f: {  	v58 =	vshll.u32 v3, $0x3  }
0x50: {  	v3 =	vand.u32 $0x7, v3;
	v4 =	vand.u32 $0xFFFFFFC0, v58  }
0x51: {  	v3 =	vor.u32 v3, v4  }
0x52: {  	v4 =	vperm.xlane v3, v0;
	_ =	sdelay $0x1  }
0x53: {  	v4 =	vadd.s32 v1, v4;
	_ =	sdelay $0x4  }
0x54: {  	[tilespmem:s2], [sflag:$0x1] =	stream.indirect_vreg.gather [hbm4b:s3+s2], $0x80, v4, vm0, $0xb8;
	[tilespmem:$0x8080] =	vst v63  }
0x55: {  	v3 =	vperm.xlane v3, v2  }
0x56: {  	[tilespmem:s16], [sflag:$0x1] =	stream.indirect_vreg.gather [hbm4b:s4+s2], $0x80, v4, vm0, $0xb8;
	[tilespmem:$0x8080] =	vst v63  }
0x57: {  	v3 =	vadd.s32 v1, v3  }
0x58: {  	[tilespmem:s17], [sflag:$0x1] =	stream.indirect_vreg.gather [hbm4b:s5+s2], $0x80, v4, vm0, $0xb8;
	[tilespmem:$0x8080] =	vst v63  }
0x59: {  	_ = 	snop  }
0x5a: {  	[tilespmem:s18], [sflag:$0x1] =	stream.indirect_vreg.gather [hbm4b:s6+s2], $0x80, v4, vm0, $0xb8;
	[tilespmem:$0x8080] =	vst v63  }
0x5b: {  	_ = 	snop  }
0x5c: {  	[tilespmem:s19], [sflag:$0x1] =	stream.indirect_vreg.gather [hbm4b:s3+s2], $0x80, v3, vm0, $0xb8;
	[tilespmem:$0x8080] =	vst v63  }
0x5d: {  	_ = 	snop  }
0x5e: {  	[tilespmem:s20], [sflag:$0x1] =	stream.indirect_vreg.gather [hbm4b:s4+s2], $0x80, v3, vm0, $0xb8;
	[tilespmem:$0x8080] =	vst v63  }
0x5f: {  	_ = 	snop  }
0x60: {  	[tilespmem:s21], [sflag:$0x1] =	stream.indirect_vreg.gather [hbm4b:s5+s2], $0x80, v3, vm0, $0xb8;
	[tilespmem:$0x8080] =	vst v63  }
0x61: {  	_ = 	snop  }
0x62: {  	[tilespmem:s22], [sflag:$0x1] =	stream.indirect_vreg.gather [hbm4b:s6+s2], $0x80, v3, vm0, $0xb8;
	[tilespmem:$0x8080] =	vst v63  }
0x63: {  	v3 =	vld [tilespmem:$0x8010];
	_ =	sdelay $0x4  }
0x64: {  	v59 =	vshll.u32 v3, $0x3  }
0x65: {  	v3 =	vand.u32 $0x7, v3;
	v4 =	vand.u32 $0xFFFFFFC0, v59  }
0x66: {  	v3 =	vor.u32 v3, v4  }
0x67: {  	v4 =	vperm.xlane v3, v0;
	_ =	sdelay $0x1  }
0x68: {  	v4 =	vadd.s32 v1, v4;
	_ =	sdelay $0x4  }
0x69: {  	[tilespmem:s23], [sflag:$0x1] =	stream.indirect_vreg.gather [hbm4b:s3+s2], $0x80, v4, vm0, $0xb8;
	[tilespmem:$0x8080] =	vst v63  }
0x6a: {  	v3 =	vperm.xlane v3, v2  }
0x6b: {  	[tilespmem:s24], [sflag:$0x1] =	stream.indirect_vreg.gather [hbm4b:s4+s2], $0x80, v4, vm0, $0xb8;
	[tilespmem:$0x8080] =	vst v63  }
0x6c: {  	v3 =	vadd.s32 v1, v3  }
0x6d: {  	[tilespmem:s25], [sflag:$0x1] =	stream.indirect_vreg.gather [hbm4b:s5+s2], $0x80, v4, vm0, $0xb8;
	[tilespmem:$0x8080] =	vst v63  }
0x6e: {  	_ = 	snop  }
0x6f: {  	[tilespmem:s26], [sflag:$0x1] =	stream.indirect_vreg.gather [hbm4b:s6+s2], $0x80, v4, vm0, $0xb8;
	[tilespmem:$0x8080] =	vst v63  }
0x70: {  	_ = 	snop  }
0x71: {  	[tilespmem:s28], [sflag:$0x1] =	stream.indirect_vreg.gather [hbm4b:s3+s2], $0x80, v3, vm0, $0xb8;
	[tilespmem:$0x8080] =	vst v63  }
0x72: {  	_ = 	snop  }
0x73: {  	[tilespmem:s29], [sflag:$0x1] =	stream.indirect_vreg.gather [hbm4b:s4+s2], $0x80, v3, vm0, $0xb8;
	[tilespmem:$0x8080] =	vst v63  }
0x74: {  	_ = 	snop  }
0x75: {  	[tilespmem:s30], [sflag:$0x1] =	stream.indirect_vreg.gather [hbm4b:s5+s2], $0x80, v3, vm0, $0xb8;
	[tilespmem:$0x8080] =	vst v63  }
0x76: {  	_ = 	snop  }
0x77: {  	[tilespmem:s31], [sflag:$0x1] =	stream.indirect_vreg.gather [hbm4b:s6+s2], $0x80, v3, vm0, $0xb8;
	[tilespmem:$0x8080] =	vst v63  }
0x78: {  	_ =	swait.ge [sflag:s0], $0x8000  }
0x79: {  	[sflag:s0] =	ssyncset.done $0x0  }
0x7a: {  	[sflag:s0] =	ssyncadd.s32 $0xFFFF8000  }
0x7b: {  	[hbm4b:s8+s2] =	stream.linear.scatter [tilespmem:s2], [sflag:$0x2], $0x8000, $0x38;
	[tilespmem:$0x8080] =	vst v63  }
0x7c: {  	_ =	swait.ge [sflag:s15], $0x8000  }
0x7d: {  	[sflag:s15] =	ssyncset.done $0x0  }
0x7e: {  	[sflag:s15] =	ssyncadd.s32 $0xFFFF8000  }
0x7f: {  	[tilespmem:s14], [sflag:$0x2] =	stream.linear.gather [hbm4b:s9+s2], $0x20, $0x38;
	[tilespmem:$0x8080] =	vst v63  }
0x80: {  	_ =	swait.ge [sflag:s15], $0x20  }
0x81: {  	[sflag:s15] =	ssyncset.done $0x0  }
0x82: {  	[sflag:s15] =	ssyncadd.s32 $0xFFFFFFE0  }
0x83: {  	v3 =	vld [tilespmem:$0x8000];
	_ =	sdelay $0x4  }
0x84: {  	v60 =	vshll.u32 v3, $0x3  }
0x85: {  	v3 =	vand.u32 $0x7, v3;
	v4 =	vand.u32 $0xFFFFFFC0, v60  }
0x86: {  	v3 =	vor.u32 v3, v4  }
0x87: {  	v4 =	vperm.xlane v3, v0;
	_ =	sdelay $0x1  }
0x88: {  	v4 =	vadd.s32 v1, v4;
	_ =	sdelay $0x4  }
0x89: {  	[tilespmem:s2], [sflag:$0x1] =	stream.indirect_vreg.gather [hbm4b:s3+s2], $0x80, v4, vm0, $0xb8;
	[tilespmem:$0x8080] =	vst v63  }
0x8a: {  	v3 =	vperm.xlane v3, v2  }
0x8b: {  	[tilespmem:s16], [sflag:$0x1] =	stream.indirect_vreg.gather [hbm4b:s4+s2], $0x80, v4, vm0, $0xb8;
	[tilespmem:$0x8080] =	vst v63  }
0x8c: {  	v3 =	vadd.s32 v1, v3  }
0x8d: {  	[tilespmem:s17], [sflag:$0x1] =	stream.indirect_vreg.gather [hbm4b:s5+s2], $0x80, v4, vm0, $0xb8;
	[tilespmem:$0x8080] =	vst v63  }
0x8e: {  	_ = 	snop  }
0x8f: {  	[tilespmem:s18], [sflag:$0x1] =	stream.indirect_vreg.gather [hbm4b:s6+s2], $0x80, v4, vm0, $0xb8;
	[tilespmem:$0x8080] =	vst v63  }
0x90: {  	_ = 	snop  }
0x91: {  	[tilespmem:s19], [sflag:$0x1] =	stream.indirect_vreg.gather [hbm4b:s3+s2], $0x80, v3, vm0, $0xb8;
	[tilespmem:$0x8080] =	vst v63  }
0x92: {  	_ = 	snop  }
0x93: {  	[tilespmem:s20], [sflag:$0x1] =	stream.indirect_vreg.gather [hbm4b:s4+s2], $0x80, v3, vm0, $0xb8;
	[tilespmem:$0x8080] =	vst v63  }
0x94: {  	_ = 	snop  }
0x95: {  	[tilespmem:s21], [sflag:$0x1] =	stream.indirect_vreg.gather [hbm4b:s5+s2], $0x80, v3, vm0, $0xb8;
	[tilespmem:$0x8080] =	vst v63  }
0x96: {  	_ = 	snop  }
0x97: {  	[tilespmem:s22], [sflag:$0x1] =	stream.indirect_vreg.gather [hbm4b:s6+s2], $0x80, v3, vm0, $0xb8;
	[tilespmem:$0x8080] =	vst v63  }
0x98: {  	v3 =	vld [tilespmem:$0x8010];
	_ =	sdelay $0x4  }
0x99: {  	v61 =	vshll.u32 v3, $0x3  }
0x9a: {  	v3 =	vand.u32 $0x7, v3;
	v4 =	vand.u32 $0xFFFFFFC0, v61  }
0x9b: {  	v3 =	vor.u32 v3, v4  }
0x9c: {  	v4 =	vperm.xlane v3, v0;
	_ =	sdelay $0x1  }
0x9d: {  	v4 =	vadd.s32 v1, v4;
	_ =	sdelay $0x4  }
0x9e: {  	[tilespmem:s23], [sflag:$0x1] =	stream.indirect_vreg.gather [hbm4b:s3+s2], $0x80, v4, vm0, $0xb8;
	[tilespmem:$0x8080] =	vst v63  }
0x9f: {  	v3 =	vperm.xlane v3, v2  }
0xa0: {  	[tilespmem:s24], [sflag:$0x1] =	stream.indirect_vreg.gather [hbm4b:s4+s2], $0x80, v4, vm0, $0xb8;
	[tilespmem:$0x8080] =	vst v63  }
0xa1: {  	v3 =	vadd.s32 v1, v3  }
0xa2: {  	[tilespmem:s25], [sflag:$0x1] =	stream.indirect_vreg.gather [hbm4b:s5+s2], $0x80, v4, vm0, $0xb8;
	[tilespmem:$0x8080] =	vst v63  }
0xa3: {  	_ = 	snop  }
0xa4: {  	[tilespmem:s26], [sflag:$0x1] =	stream.indirect_vreg.gather [hbm4b:s6+s2], $0x80, v4, vm0, $0xb8;
	[tilespmem:$0x8080] =	vst v63  }
0xa5: {  	_ = 	snop  }
0xa6: {  	[tilespmem:s28], [sflag:$0x1] =	stream.indirect_vreg.gather [hbm4b:s3+s2], $0x80, v3, vm0, $0xb8;
	[tilespmem:$0x8080] =	vst v63  }
0xa7: {  	_ = 	snop  }
0xa8: {  	[tilespmem:s29], [sflag:$0x1] =	stream.indirect_vreg.gather [hbm4b:s4+s2], $0x80, v3, vm0, $0xb8;
	[tilespmem:$0x8080] =	vst v63  }
0xa9: {  	_ = 	snop  }
0xaa: {  	[tilespmem:s30], [sflag:$0x1] =	stream.indirect_vreg.gather [hbm4b:s5+s2], $0x80, v3, vm0, $0xb8;
	[tilespmem:$0x8080] =	vst v63  }
0xab: {  	_ = 	snop  }
0xac: {  	[tilespmem:s31], [sflag:$0x1] =	stream.indirect_vreg.gather [hbm4b:s6+s2], $0x80, v3, vm0, $0xb8;
	[tilespmem:$0x8080] =	vst v63  }
0xad: {  	_ =	swait.ge [sflag:s0], $0x8000  }
0xae: {  	[sflag:s0] =	ssyncset.done $0x0  }
0xaf: {  	[sflag:s0] =	ssyncadd.s32 $0xFFFF8000  }
0xb0: {  	[hbm4b:s10+s2] =	stream.linear.scatter [tilespmem:s2], [sflag:$0x2], $0x8000, $0x38;
	[tilespmem:$0x8080] =	vst v63  }
0xb1: {  	_ =	swait.ge [sflag:s15], $0x8000  }
0xb2: {  	[sflag:s15] =	ssyncset.done $0x0  }
0xb3: {  	[sflag:s15] =	ssyncadd.s32 $0xFFFF8000  }
0xb4: {  	[tilespmem:s14], [sflag:$0x2] =	stream.linear.gather [hbm4b:s11+s2], $0x20, $0x38;
	[tilespmem:$0x8080] =	vst v63  }
0xb5: {  	_ =	swait.ge [sflag:s15], $0x20  }
0xb6: {  	[sflag:s15] =	ssyncset.done $0x0  }
0xb7: {  	[sflag:s15] =	ssyncadd.s32 $0xFFFFFFE0  }
0xb8: {  	v3 =	vld [tilespmem:$0x8000];
	_ =	sdelay $0x4  }
0xb9: {  	v62 =	vshll.u32 v3, $0x3  }
0xba: {  	v3 =	vand.u32 $0x7, v3;
	v4 =	vand.u32 $0xFFFFFFC0, v62  }
0xbb: {  	v3 =	vor.u32 v3, v4  }
0xbc: {  	v4 =	vperm.xlane v3, v0;
	_ =	sdelay $0x1  }
0xbd: {  	v4 =	vadd.s32 v1, v4;
	_ =	sdelay $0x4  }
0xbe: {  	[tilespmem:s2], [sflag:$0x1] =	stream.indirect_vreg.gather [hbm4b:s3+s2], $0x80, v4, vm0, $0xb8;
	[tilespmem:$0x8080] =	vst v63  }
0xbf: {  	v3 =	vperm.xlane v3, v2  }
0xc0: {  	[tilespmem:s16], [sflag:$0x1] =	stream.indirect_vreg.gather [hbm4b:s4+s2], $0x80, v4, vm0, $0xb8;
	[tilespmem:$0x8080] =	vst v63  }
0xc1: {  	v3 =	vadd.s32 v1, v3  }
0xc2: {  	[tilespmem:s17], [sflag:$0x1] =	stream.indirect_vreg.gather [hbm4b:s5+s2], $0x80, v4, vm0, $0xb8;
	[tilespmem:$0x8080] =	vst v63  }
0xc3: {  	_ = 	snop  }
0xc4: {  	[tilespmem:s18], [sflag:$0x1] =	stream.indirect_vreg.gather [hbm4b:s6+s2], $0x80, v4, vm0, $0xb8;
	[tilespmem:$0x8080] =	vst v63  }
0xc5: {  	_ = 	snop  }
0xc6: {  	[tilespmem:s19], [sflag:$0x1] =	stream.indirect_vreg.gather [hbm4b:s3+s2], $0x80, v3, vm0, $0xb8;
	[tilespmem:$0x8080] =	vst v63  }
0xc7: {  	_ = 	snop  }
0xc8: {  	[tilespmem:s20], [sflag:$0x1] =	stream.indirect_vreg.gather [hbm4b:s4+s2], $0x80, v3, vm0, $0xb8;
	[tilespmem:$0x8080] =	vst v63  }
0xc9: {  	_ = 	snop  }
0xca: {  	[tilespmem:s21], [sflag:$0x1] =	stream.indirect_vreg.gather [hbm4b:s5+s2], $0x80, v3, vm0, $0xb8;
	[tilespmem:$0x8080] =	vst v63  }
0xcb: {  	_ = 	snop  }
0xcc: {  	[tilespmem:s22], [sflag:$0x1] =	stream.indirect_vreg.gather [hbm4b:s6+s2], $0x80, v3, vm0, $0xb8;
	[tilespmem:$0x8080] =	vst v63  }
0xcd: {  	v3 =	vld [tilespmem:$0x8010];
	_ =	sdelay $0x4  }
0xce: {  	v63 =	vshll.u32 v3, $0x3  }
0xcf: {  	v3 =	vand.u32 $0x7, v3;
	v4 =	vand.u32 $0xFFFFFFC0, v63  }
0xd0: {  	v3 =	vor.u32 v3, v4  }
0xd1: {  	v4 =	vperm.xlane v3, v0;
	_ =	sdelay $0x1  }
0xd2: {  	v4 =	vadd.s32 v1, v4;
	_ =	sdelay $0x4  }
0xd3: {  	[tilespmem:s23], [sflag:$0x1] =	stream.indirect_vreg.gather [hbm4b:s3+s2], $0x80, v4, vm0, $0xb8;
	[tilespmem:$0x8080] =	vst v63  }
0xd4: {  	v3 =	vperm.xlane v3, v2  }
0xd5: {  	[tilespmem:s24], [sflag:$0x1] =	stream.indirect_vreg.gather [hbm4b:s4+s2], $0x80, v4, vm0, $0xb8;
	[tilespmem:$0x8080] =	vst v63  }
0xd6: {  	v3 =	vadd.s32 v1, v3  }
0xd7: {  	[tilespmem:s25], [sflag:$0x1] =	stream.indirect_vreg.gather [hbm4b:s5+s2], $0x80, v4, vm0, $0xb8;
	[tilespmem:$0x8080] =	vst v63  }
0xd8: {  	_ = 	snop  }
0xd9: {  	[tilespmem:s26], [sflag:$0x1] =	stream.indirect_vreg.gather [hbm4b:s6+s2], $0x80, v4, vm0, $0xb8;
	[tilespmem:$0x8080] =	vst v63  }
0xda: {  	_ = 	snop  }
0xdb: {  	[tilespmem:s28], [sflag:$0x1] =	stream.indirect_vreg.gather [hbm4b:s3+s2], $0x80, v3, vm0, $0xb8;
	[tilespmem:$0x8080] =	vst v63  }
0xdc: {  	_ = 	snop  }
0xdd: {  	[tilespmem:s29], [sflag:$0x1] =	stream.indirect_vreg.gather [hbm4b:s4+s2], $0x80, v3, vm0, $0xb8;
	[tilespmem:$0x8080] =	vst v63  }
0xde: {  	_ = 	snop  }
0xdf: {  	[tilespmem:s30], [sflag:$0x1] =	stream.indirect_vreg.gather [hbm4b:s5+s2], $0x80, v3, vm0, $0xb8;
	[tilespmem:$0x8080] =	vst v63  }
0xe0: {  	_ = 	snop  }
0xe1: {  	[tilespmem:s31], [sflag:$0x1] =	stream.indirect_vreg.gather [hbm4b:s6+s2], $0x80, v3, vm0, $0xb8;
	[tilespmem:$0x8080] =	vst v63  }
0xe2: {  	_ =	swait.ge [sflag:s0], $0x8000  }
0xe3: {  	p0 =	sne.s32 s13, $0x1;
	[sflag:s0] =	ssyncset.done $0x0  }
.Ltmp0:
0xe4: {  	[sflag:s0] =	ssyncadd.s32 $0xFFFF8000;
	(pc) =	sbr.rel @p0 .LBB2_1-.Ltmp0, $4  }
0xe5: {  	[hbm4b:s12+s2] =	stream.linear.scatter [tilespmem:s2], [sflag:$0x2], $0x8000, $0x38;
	[tilespmem:$0x8080] =	vst v63  }
0xe6: {  	_ =	swait.ge [sflag:s15], $0x8000  }
0xe7: {  	[sflag:s15] =	ssyncset.done $0x0  }
0xe8: {  	s13 =	sadd.s32 $0xFFFFFFFF, s13;
	[sflag:s15] =	ssyncadd.s32 $0xFFFF8000  }
0xe9: {  	_ =	sfence.sel $0x180000  }
0xea: {  	[bflag:$0x0] =	sbarrier.arrive $0xFFFF  }
0xeb: {  	_ =	strace $0x9000004A  }
0xec: {  	s0 =	stileid.u32;
	[bflag:$0x2] =	sbarrier.arrive $0xFFFF  }
0xed: {  	p0 =	sne.s32 s0, $0x0;
	s0 =	rddreg [dreg:$0x2]  }
0xee: {  	s0 =	sadd.s32 @!p0 $0x100000, s0  }
0xef: {  	[sflag:s0] =	ssyncadd.tile.s32 @!p0 $0x1;
	_ =	shalt  }
.Lfunc_end2:
_tile_overlayer_lowered:
.L_overlay_start_2:
0xf0: {  	(tag) =	ssettag $0x2  }
0xf1: {  	s0 =	rddreg [dreg:$0x0];
	s2 =	stileid.u32  }
0xf2: {  	s1 =	rddreg [dreg:$0x1];
	p0 =	sne.s32 s2, $0x0  }
0xf3: {  	s3 =	rddreg [dreg:$0x2];
	[bflag:$0x3] =	sbarrier.arrive $0xFFFF;
	s2 =	simm.s32 @!p0 $0x1C02  }
0xf4: {  	[timem:s3], [sflag:s2] =	dma.local @!p0 [hbm:s0], s1  }
0xf5: {  	s0 =	simm.s32 @!p0 $0x2  }
0xf6: {  	_ =	swait.ge @!p0 [sflag:s0], s1  }
0xf7: {  	s1 =	ssub.s32 @!p0 $0x0, s1;
	[sflag:s0] =	ssyncset.done @!p0 $0x0  }
0xf8: {  	[sflag:s0] =	ssyncadd.s32 @!p0 s1  }
0xf9: {  	[bflag:$0x3] =	sbarrier.arrive $0xFFFF  }
0xfa: {  	_ =	shalt  }

// kernel: kernel.7.cloned.1.call-start
scs
__scs_entry_jumppad:
0x0: {  	(pc) =	sbr.rel $0x88, $3  }
0x1: {  	(tag) =	ssettag $0x0;
	lr =	simm.s32 $0x1  }
0x2: {  	[smem:$0x3F9C] =	sst lr;
	_ =	strace $0xD0000000  }
0x3: {  	_ = 	snop  }
0x4: {  	_ = 	snop  }
0x5: {  	_ = 	snop  }
0x6: {  	_ = 	snop  }
0x7: {  	_ = 	snop  }
__scs_overlays_trampoline_lowered:
0x8: {  	[smem:$0x3FAB] =	sst s0  }
0x9: {  	[smem:$0x3FAC] =	sst s1  }
0xa: {  	[smem:$0x3FAD] =	sst s2  }
0xb: {  	[smem:$0x3FAE] =	sst s3  }
0xc: {  	[smem:$0x3FAF] =	sst s4  }
0xd: {  	[smem:$0x3FB0] =	sst s5  }
0xe: {  	[smem:$0x3FB1] =	sst s6  }
0xf: {  	[smem:$0x3FB2] =	sst s7  }
0x10: {  	[smem:$0x3FB3] =	sst s8  }
0x11: {  	[smem:$0x3FB4] =	sst s9;
	s0 =	simm.s32 @!p0 $0x0  }
0x12: {  	s1 =	sld [smem:$0x3F9A];
	s0 =	simm.s32 @p0 $0x1  }
0x13: {  	[smem:$0x3FB5] =	sst s0;
	s0 =	simm.s32 @!p1 $0x0  }
0x14: {  	s2 =	sld [smem:$0x3F99];
	s0 =	simm.s32 @p1 $0x1  }
0x15: {  	[smem:$0x3FB6] =	sst s0;
	s0 =	simm.s32 @!p2 $0x0  }
0x16: {  	s3 =	sld [smem:$0x3FDB];
	s0 =	simm.s32 @p2 $0x1  }
0x17: {  	s4 =	simm.s32 $0x1BF5;
	[smem:$0x3FB8] =	sst s0  }
0x18: {  	s0 =	sld [smem:$0x3F9B];
	_ =	swait.ge [sflag:s4], $0x0  }
0x19: {  	s7 =	sld [smem:$0x3F9C]  }
0x1a: {  	s8 =	sadd.s32 $0xFFFFE003, lr  }
0x1b: {  	s9 =	sadd.s32 $0xFFFFFEF7, lr;
	s5 =	simm.s32 $0xFFFFFFFF;
	p2 =	slt.u32 s8, $0xFFFFF086  }
0x1c: {  	p1 =	slt.u32 s9, $0xF7A;
	s5 =	simm.s32 @!p2 $0x0  }
0x1d: {  	s5 =	simm.s32 @p1 $0x1;
	p0 =	seq.s32 s7, s2  }
0x1e: {  	s7 =	smul.u32 @!p0 $0xF7A, s2;
	p2 =	seq.s32 @!p0 s5, $0x0  }
0x1f: {  	s9 =	smul.u32 $0xF7A, s1;
	s8 =	simm.s32 @!p0 $0x1BF5;
	p2 =	por !p2, p0  }
0x20: {  	[sflag:s8] =	ssyncset.s32 @!p0 $0xFFFFF086;
	s6 =	sadd.s32 @!p0 s3, s7;
	s7 =	simm.s32 @!p0 $0x108  }
0x21: {  	s3 =	sadd.s32 s3, s9;
	s6 =	sadd.s32 @!p0 $0x88, s6;
	s7 =	simm.s32 @p2 $0x1082  }
0x22: {  	[simem:s7], [sflag:s8] =	dma.local @!p0 [hbm:s6], $0xF7A  }
0x23: {  	s9 =	sor.u32 $0xD0000000, s2;
	s6 =	simm.s32 $0x108;
	_ =	swait.ge @!p0 [sflag:s8], $0x0  }
0x24: {  	s3 =	sadd.s32 $0x88, s3;
	s6 =	simm.s32 @!p1 $0x1082;
	[sflag:s4] =	ssyncset.s32 $0xFFFFF086  }
0x25: {  	[simem:s6], [sflag:s4] =	dma.local [hbm:s3], $0xF7A  }
0x26: {  	[smem:$0x3F9C] =	sst s1;
	(tag) =	ssettag s2;
	_ =	strace s9  }
0x27: {  	s1 =	sld [smem:$0x3FAC]  }
0x28: {  	s2 =	sld [smem:$0x3FAD]  }
0x29: {  	s4 =	sld [smem:$0x3FAF]  }
0x2a: {  	p0 =	seq.s32 s5, $0x0;
	s5 =	sld [smem:$0x3FB0]  }
0x2b: {  	s6 =	sld [smem:$0x3FB1]  }
0x2c: {  	s7 =	sld [smem:$0x3FB2]  }
0x2d: {  	s3 =	simm.s32 $0x108;
	s8 =	sld [smem:$0x3FB3]  }
0x2e: {  	s3 =	simm.s32 @!p0 $0x1082;
	s9 =	sld [smem:$0x3FB4]  }
0x2f: {  	lr =	sadd.s32 s0, s3;
	s0 =	sld [smem:$0x3FAB]  }
0x30: {  	s3 =	sld [smem:$0x3FAE]  }
0x31: {  	[smem:$0x3FB7] =	sst s10  }
0x32: {  	s10 =	sld [smem:$0x3FB5];
	_ =	sdelay $0x3  }
0x33: {  	p0 =	seq.s32 s10, $0x1;
	s10 =	sld [smem:$0x3FB7];
	_ =	sdelay $0x3  }
0x34: {  	[smem:$0x3FB7] =	sst s10  }
0x35: {  	s10 =	sld [smem:$0x3FB6];
	_ =	sdelay $0x3  }
0x36: {  	p1 =	seq.s32 s10, $0x1;
	s10 =	sld [smem:$0x3FB7];
	_ =	sdelay $0x3  }
0x37: {  	[smem:$0x3FB7] =	sst s10  }
0x38: {  	s10 =	sld [smem:$0x3FB8]  }
0x39: {  	_ = 	snop;
	(pc) =	sbr.ind lr, $3  }
0x3a: {  	_ = 	snop  }
0x3b: {  	_ = 	snop  }
0x3c: {  	p2 =	seq.s32 s10, $0x1;
	s10 =	sld [smem:$0x3FB7]  }
0x3d: {  	_ =	shalt  }
0x3e: {  	_ =	shalt  }
0x3f: {  	_ =	shalt  }
0x40: {  	_ =	shalt  }
0x41: {  	_ =	shalt  }
0x42: {  	_ =	shalt  }
0x43: {  	_ =	shalt  }
0x44: {  	_ =	shalt  }
0x45: {  	_ =	shalt  }
0x46: {  	_ =	shalt  }
0x47: {  	_ =	shalt  }
0x48: {  	_ =	shalt  }
0x49: {  	_ =	shalt  }
0x4a: {  	_ =	shalt  }
0x4b: {  	_ =	shalt  }
0x4c: {  	_ =	shalt  }
0x4d: {  	_ =	shalt  }
0x4e: {  	_ =	shalt  }
0x4f: {  	_ =	shalt  }
0x50: {  	_ =	shalt  }
0x51: {  	_ =	shalt  }
0x52: {  	_ =	shalt  }
0x53: {  	_ =	shalt  }
0x54: {  	_ =	shalt  }
0x55: {  	_ =	shalt  }
0x56: {  	_ =	shalt  }
0x57: {  	_ =	shalt  }
0x58: {  	_ =	shalt  }
0x59: {  	_ =	shalt  }
0x5a: {  	_ =	shalt  }
0x5b: {  	_ =	shalt  }
0x5c: {  	_ =	shalt  }
0x5d: {  	_ =	shalt  }
0x5e: {  	_ =	shalt  }
0x5f: {  	_ =	shalt  }
0x60: {  	_ =	shalt  }
0x61: {  	_ =	shalt  }
0x62: {  	_ =	shalt  }
0x63: {  	_ =	shalt  }
0x64: {  	_ =	shalt  }
0x65: {  	_ =	shalt  }
0x66: {  	_ =	shalt  }
0x67: {  	_ =	shalt  }
0x68: {  	_ =	shalt  }
0x69: {  	_ =	shalt  }
0x6a: {  	_ =	shalt  }
0x6b: {  	_ =	shalt  }
0x6c: {  	_ =	shalt  }
0x6d: {  	_ =	shalt  }
0x6e: {  	_ =	shalt  }
0x6f: {  	_ =	shalt  }
0x70: {  	_ =	shalt  }
0x71: {  	_ =	shalt  }
0x72: {  	_ =	shalt  }
0x73: {  	_ =	shalt  }
0x74: {  	_ =	shalt  }
0x75: {  	_ =	shalt  }
0x76: {  	_ =	shalt  }
0x77: {  	_ =	shalt  }
0x78: {  	_ =	shalt  }
0x79: {  	_ =	shalt  }
0x7a: {  	_ =	shalt  }
0x7b: {  	_ =	shalt  }
0x7c: {  	_ =	shalt  }
0x7d: {  	_ =	shalt  }
0x7e: {  	_ =	shalt  }
0x7f: {  	_ =	shalt  }
0x80: {  	_ =	shalt  }
0x81: {  	_ =	shalt  }
0x82: {  	_ =	shalt  }
0x83: {  	_ =	shalt  }
0x84: {  	_ =	shalt  }
0x85: {  	_ =	shalt  }
0x86: {  	_ =	shalt  }
0x87: {  	_ =	shalt  }
.Lfunc_end0:
.L_simem_size_0:
called_computation_lowered:
.L_overlay_start_0:
0x88: {  	s2 =	sld [smem:$0x3FD9]  }
0x89: {  	s3 =	sld [smem:$0x3FFE];
	_ =	sdelay $0x1  }
0x8a: {  	s1 =	srdreg.scid  }
0x8b: {  	s0 =	sand.u32 $0x1, s1  }
0x8c: {  	s17 =	sshll.u32 s0, $0xA;
	s2 =	sadd.s32 s3, s2  }
0x8d: {  	s2 =	sadd.s32 s2, s17  }
0x8e: {  	[smem:$0x3FC3] =	sst s2  }
0x8f: {  	_ = 	snop  }
0x90: {  	s2 =	sld [smem:$0x3FC9];
	(tm) =	ssettm $0x1  }
0x91: {  	s18 =	sld [smem:$0x3FFB];
	_ =	sdelay $0x3  }
0x92: {  	_ =	strace s18  }
0x93: {  	s3 =	sld [smem:$0x3FFC];
	_ =	sdelay $0x3  }
0x94: {  	_ =	strace s3  }
0x95: {  	s3 =	sld [smem:$0x3FFD];
	_ =	sdelay $0x3  }
0x96: {  	_ =	strace s3  }
0x97: {  	_ =	strace $0x8FFFFFFF  }
0x98: {  	s19 =	sld [smem:$0x3FDB];
	_ =	sdelay $0x1  }
0x99: {  	s4 =	simm.s32 $_scs_section_size  }
0x9a: {  	s5 =	simm.s32 $_size__tile_overlayer_lowered;
	s6 =	simm.s32 $_tile_overlayer_lowered  }
0x9b: {  	s22 =	simm.s32 $0x1BFF;
	s21 =	sshll.u32 s6, $0x1;
	s3 =	sadd.s32 s4, s19  }
0x9c: {  	s7 =	simm.s32 $0x0;
	s20 =	sshll.u32 s5, $0x1;
	s5 =	sadd.s32 s21, s3  }
0x9d: {  	[timem:s7], [sflag:s22] =	dma.local [hbm:s5], s20  }
0x9e: {  	_ =	swait.ge [sflag:s22], s20  }
0x9f: {  	s4 =	ssub.s32 $0x0, s20;
	[sflag:s22] =	ssyncset.done $0x0  }
0xa0: {  	[sflag:s22] =	ssyncadd.s32 s4;
	_ =	sdelay $0x1  }
0xa1: {  	s23 =	simm.s32 $0x1B8B  }
0xa2: {  	_ =	swait.ge [sflag:s23], $0x1  }
0xa3: {  	[sflag:s23] =	ssyncset.done $0x0  }
0xa4: {  	s25 =	simm.s32 $0x1B8E;
	s24 =	sld [smem:$0x3FFE];
	[sflag:s23] =	ssyncadd.s32 $0xFFFFFFFF  }
0xa5: {  	s26 =	simm.s32 $execute0_lowered;
	[smem:$0x3FD2] =	sst s25  }
0xa6: {  	s5 =	sshll.u32 s26, $0x1;
	_ =	strace $0x80000046;
	[dreg:$0x1] =	wrdreg $0xFFFFFFFF  }
0xa7: {  	s28 =	simm.s32 $_size_execute0_lowered;
	s3 =	sadd.s32 s3, s5;
	[dreg:$0x0] =	wrdreg $0x0  }
0xa8: {  	s5 =	sshll.u32 s28, $0x1;
	[dreg:$0x2] =	wrdreg s3  }
0xa9: {  	[dreg:$0x3] =	wrdreg s5  }
0xaa: {  	[dreg:$0x4] =	wrdreg $0xC0  }
0xab: {  	_ =	task [dreg:s7], $0x5FFFF  }
0xac: {  	[dreg:$0x1] =	wrdreg $0xFFFFFFFF  }
0xad: {  	[dreg:$0x0] =	wrdreg $0x60  }
0xae: {  	[dreg:$0x2] =	wrdreg s2  }
0xaf: {  	[dreg:$0x3] =	wrdreg s24  }
0xb0: {  	[dreg:$0x4] =	wrdreg $0x9  }
0xb1: {  	_ =	task.clear_ibuf [dreg:s7], $0x5FFFF;
	_ =	strace $0x90000046  }
0xb2: {  	s29 =	simm.s32 $0x9;
	_ =	strace $0x80000048  }
0xb3: {  	_ =	swait.ge [sflag:s29], $0x1  }
0xb4: {  	[sflag:s29] =	ssyncadd.s32 $0xFFFFFFFF  }
0xb5: {  	_ =	strace $0x90000048  }
0xb6: {  	_ =	sfence  }
0xb7: {  	s30 =	sld [smem:$0x0];
	_ =	sdelay $0x2  }
0xb8: {  	s31 =	sshll.u32 s1, $0xD;
	s1 =	sshrl.u32 s1, $0x2  }
0xb9: {  	s3 =	sand.u32 $0x4000, s31;
	s1 =	sadd.s32 s1, s30  }
0xba: {  	s0 =	sor.u32 s3, s0;
	s1 =	sshll.u32 s1, $0x11  }
0xbb: {  	s0 =	sor.u32 s1, s0  }
0xbc: {  	s0 =	sadd.s32 $0x8F2B, s0  }
0xbd: {  	[sflag:s0] =	ssyncadd.remote.s32 $0x1  }
0xbe: {  	_ =	sfence.sel $0xFFFF  }
0xbf: {  	[dreg:$0x0] =	wrdreg $0xFFFFFFFF;
	(pc) =	sbr.abs _section_cstart, $3  }
0xc0: {  	[dreg:$0x1] =	wrdreg $0xFFFFFFFF  }
0xc1: {  	_ =	task.clear_ibuf [dreg:s7], $0x2FFFF;
	_ =	strace $0x9FFFFFFF  }
0xc2: {  	(tm) =	ssettm $0x7FFFFFFF  }
0xc3: {  	_ =	shalt  }
tec
execute0_lowered:
.L_overlay_start_1:
0x0: {  	(tag) =	ssettag $0x1  }
0x1: {  	s0 =	rddreg [dreg:$0x0]  }
0x2: {  	s6 =	rddreg [dreg:$0x1];
	s2 =	simm.s32 $0x0;
	s3 =	srdreg.scid  }
0x3: {  	s1 =	stileid.u32;
	s28 =	simm.s32 $0x6000;
	s29 =	simm.s32 $0x6800  }
0x4: {  	s30 =	simm.s32 $0x7000;
	s31 =	simm.s32 $0x7800;
	[smem:$0x7FF] =	sst s2  }
0x5: {  	s3 =	sand.u32 $0x1, s3;
	s4 =	sshll.u32 s1, $0x1;
	s11 =	sadd.s32 $0xC00, s6  }
0x6: {  	s9 =	sadd.s32 $0xE00, s6;
	p0 =	slt.u32 s1, $0x8;
	_ =	strace $0x80000047  }
0x7: {  	s10 =	sor.u32 s3, s4;
	s24 =	ssub.s32 $0x2, s3;
	s3 =	sadd.s32 $0x1000, s6  }
0x8: {  	s4 =	sadd.s32 $0x1100, s6;
	s12 =	sshll.u32 s10, $0x7;
	s5 =	sshrl.u32 s24, $0x1  }
0x9: {  	s20 =	sshll.u32 s10, $0x4;
	s7 =	sadd.s32 $0xFFFFF800, s12;
	s13 =	ssub.s32 s24, s5  }
0xa: {  	s5 =	sadd.s32 $0x1200, s6;
	s16 =	sadd.s32 $0xFFFFF820, s12;
	s6 =	sadd.s32 $0x1300, s6  }
0xb: {  	s17 =	sadd.s32 $0xFFFFF840, s12;
	s18 =	sadd.s32 $0xFFFFF860, s12;
	s20 =	sadd.s32 s11, s20  }
0xc: {  	s21 =	sor.u32 $0x20, s12;
	s22 =	sor.u32 $0x40, s12;
	s12 =	sor.u32 $0x60, s12  }
0xd: {  	s25 =	sshrl.u32 s7, $0x3;
	s14 =	sshll.u32 s7, $0x7;
	s26 =	sshrl.u32 s16, $0x3  }
0xe: {  	s8 =	sshrl.u32 s17, $0x3;
	s19 =	sshrl.u32 s18, $0x3;
	s1 =	sshrl.u32 s21, $0x3  }
0xf: {  	s23 =	sshrl.u32 s22, $0x3;
	s24 =	sshrl.u32 s12, $0x3;
	s16 =	smov.u32 @p0 s21  }
0x10: {  	s17 =	smov.u32 @p0 s22;
	s18 =	smov.u32 @p0 s12;
	s15 =	sadd.s32 s9, s25  }
0x11: {  	s7 =	sadd.s32 s9, s26;
	s8 =	sadd.s32 s9, s8;
	s9 =	sadd.s32 s9, s19  }
0x12: {  	s19 =	sshll.u32 s10, $0xE;
	s25 =	sadd.s32 s11, s1;
	s23 =	sadd.s32 s11, s23  }
0x13: {  	s24 =	sadd.s32 s11, s24;
	s10 =	smax.u32 s13, $0x1;
	s21 =	sshll.u32 s16, $0x7  }
0x14: {  	s22 =	sshll.u32 s17, $0x7;
	s26 =	sshll.u32 s18, $0x7;
	s16 =	simm.s32 $0x800  }
0x15: {  	s17 =	simm.s32 $0x1000;
	s18 =	simm.s32 $0x1800;
	s14 =	smov.u32 @p0 s19  }
0x16: {  	s15 =	smov.u32 @p0 s20;
	s13 =	sadd.s32 s0, s21;
	s7 =	smov.u32 @p0 s25  }
0x17: {  	s12 =	sadd.s32 s0, s22;
	s8 =	smov.u32 @p0 s23;
	s9 =	smov.u32 @p0 s24  }
0x18: {  	s19 =	simm.s32 $0x2000;
	s20 =	simm.s32 $0x2800;
	s21 =	simm.s32 $0x3000  }
0x19: {  	s22 =	simm.s32 $0x3800;
	s23 =	simm.s32 $0x4000;
	s24 =	simm.s32 $0x4800  }
0x1a: {  	v2 =	vlaneseq.u32;
	s25 =	simm.s32 $0x5000;
	s11 =	sadd.s32 s0, s14;
	[dreg:$0x3] =	wrdreg s15  }
0x1b: {  	vm0 =	vmmov $0xffff;
	v1 =	vshrl.u32 v2, $0x3;
	[dreg:$0x4] =	wrdreg s13;
	s13 =	sadd.s32 s0, s26;
	s14 =	simm.s32 $0x2  }
0x1c: {  	v0 =	vand.u32 $0x7, v2;
	v2 =	vor.u32 $0x8, v2;
	v1 =	vmul.u32 $0x8, v1;
	s15 =	simm.s32 $0x8000;
	s26 =	simm.s32 $0x5800;
	s0 =	simm.s32 $0x1  }
.LBB2_1:
0x1d: {  	[tilespmem:s2], [sflag:$0x2] =	stream.linear.gather [hbm4b:s11+s2], $0x8000, $0x38;
	[tilespmem:$0x8080] =	vst v63  }
0x1e: {  	_ =	swait.ge [sflag:s14], $0x8000  }
0x1f: {  	[sflag:s14] =	ssyncset.done $0x0  }
0x20: {  	s1 =	rddreg [dreg:$0x3];
	[sflag:s14] =	ssyncadd.s32 $0xFFFF8000  }
0x21: {  	[tilespmem:s15], [sflag:$0x2] =	stream.linear.gather [hbm4b:s1+s2], $0x20, $0x38;
	[tilespmem:$0x8080] =	vst v63  }
0x22: {  	_ =	swait.ge [sflag:s14], $0x20  }
0x23: {  	[sflag:s14] =	ssyncset.done $0x0  }
0x24: {  	[sflag:s14] =	ssyncadd.s32 $0xFFFFFFE0  }
0x25: {  	v3 =	vld [tilespmem:$0x8000];
	_ =	sdelay $0x4  }
0x26: {  	v4 =	vshll.u32 v3, $0x3  }
0x27: {  	v3 =	vand.u32 $0x7, v3;
	v4 =	vand.u32 $0xFFFFFFC0, v4  }
0x28: {  	v3 =	vor.u32 v3, v4  }
0x29: {  	v4 =	vperm.xlane v3, v0;
	_ =	sdelay $0x1  }
0x2a: {  	v4 =	vadd.s32 v1, v4;
	_ =	sdelay $0x4  }
0x2b: {  	[hbm4b:s3+s2] =	stream.indirect_vreg.scatter [tilespmem:s2], [sflag:$0x1], $0x80, v4, vm0, $0xb8;
	[tilespmem:$0x8080] =	vst v63  }
0x2c: {  	v3 =	vperm.xlane v3, v2  }
0x2d: {  	[hbm4b:s4+s2] =	stream.indirect_vreg.scatter [tilespmem:s16], [sflag:$0x1], $0x80, v4, vm0, $0xb8;
	[tilespmem:$0x8080] =	vst v63  }
0x2e: {  	v3 =	vadd.s32 v1, v3  }
0x2f: {  	[hbm4b:s5+s2] =	stream.indirect_vreg.scatter [tilespmem:s17], [sflag:$0x1], $0x80, v4, vm0, $0xb8;
	[tilespmem:$0x8080] =	vst v63  }
0x30: {  	_ = 	snop  }
0x31: {  	[hbm4b:s6+s2] =	stream.indirect_vreg.scatter [tilespmem:s18], [sflag:$0x1], $0x80, v4, vm0, $0xb8;
	[tilespmem:$0x8080] =	vst v63  }
0x32: {  	_ = 	snop  }
0x33: {  	[hbm4b:s3+s2] =	stream.indirect_vreg.scatter [tilespmem:s19], [sflag:$0x1], $0x80, v3, vm0, $0xb8;
	[tilespmem:$0x8080] =	vst v63  }
0x34: {  	_ = 	snop  }
0x35: {  	[hbm4b:s4+s2] =	stream.indirect_vreg.scatter [tilespmem:s20], [sflag:$0x1], $0x80, v3, vm0, $0xb8;
	[tilespmem:$0x8080] =	vst v63  }
0x36: {  	_ = 	snop  }
0x37: {  	[hbm4b:s5+s2] =	stream.indirect_vreg.scatter [tilespmem:s21], [sflag:$0x1], $0x80, v3, vm0, $0xb8;
	[tilespmem:$0x8080] =	vst v63  }
0x38: {  	_ = 	snop  }
0x39: {  	[hbm4b:s6+s2] =	stream.indirect_vreg.scatter [tilespmem:s22], [sflag:$0x1], $0x80, v3, vm0, $0xb8;
	[tilespmem:$0x8080] =	vst v63  }
0x3a: {  	v3 =	vld [tilespmem:$0x8010];
	_ =	sdelay $0x4  }
0x3b: {  	v57 =	vshll.u32 v3, $0x3  }
0x3c: {  	v3 =	vand.u32 $0x7, v3;
	v4 =	vand.u32 $0xFFFFFFC0, v57  }
0x3d: {  	v3 =	vor.u32 v3, v4  }
0x3e: {  	v4 =	vperm.xlane v3, v0;
	_ =	sdelay $0x1  }
0x3f: {  	v4 =	vadd.s32 v1, v4;
	_ =	sdelay $0x4  }
0x40: {  	[hbm4b:s3+s2] =	stream.indirect_vreg.scatter [tilespmem:s23], [sflag:$0x1], $0x80, v4, vm0, $0xb8;
	[tilespmem:$0x8080] =	vst v63  }
0x41: {  	v3 =	vperm.xlane v3, v2  }
0x42: {  	[hbm4b:s4+s2] =	stream.indirect_vreg.scatter [tilespmem:s24], [sflag:$0x1], $0x80, v4, vm0, $0xb8;
	[tilespmem:$0x8080] =	vst v63  }
0x43: {  	v3 =	vadd.s32 v1, v3  }
0x44: {  	[hbm4b:s5+s2] =	stream.indirect_vreg.scatter [tilespmem:s25], [sflag:$0x1], $0x80, v4, vm0, $0xb8;
	[tilespmem:$0x8080] =	vst v63  }
0x45: {  	_ = 	snop  }
0x46: {  	[hbm4b:s6+s2] =	stream.indirect_vreg.scatter [tilespmem:s26], [sflag:$0x1], $0x80, v4, vm0, $0xb8;
	[tilespmem:$0x8080] =	vst v63  }
0x47: {  	_ = 	snop  }
0x48: {  	[hbm4b:s3+s2] =	stream.indirect_vreg.scatter [tilespmem:s28], [sflag:$0x1], $0x80, v3, vm0, $0xb8;
	[tilespmem:$0x8080] =	vst v63  }
0x49: {  	_ = 	snop  }
0x4a: {  	[hbm4b:s4+s2] =	stream.indirect_vreg.scatter [tilespmem:s29], [sflag:$0x1], $0x80, v3, vm0, $0xb8;
	[tilespmem:$0x8080] =	vst v63  }
0x4b: {  	_ = 	snop  }
0x4c: {  	[hbm4b:s5+s2] =	stream.indirect_vreg.scatter [tilespmem:s30], [sflag:$0x1], $0x80, v3, vm0, $0xb8;
	[tilespmem:$0x8080] =	vst v63  }
0x4d: {  	_ = 	snop  }
0x4e: {  	[hbm4b:s6+s2] =	stream.indirect_vreg.scatter [tilespmem:s31], [sflag:$0x1], $0x80, v3, vm0, $0xb8;
	[tilespmem:$0x8080] =	vst v63  }
0x4f: {  	_ =	swait.ge [sflag:s0], $0x8000  }
0x50: {  	[sflag:s0] =	ssyncset.done $0x0  }
0x51: {  	s1 =	rddreg [dreg:$0x4];
	[sflag:s0] =	ssyncadd.s32 $0xFFFF8000  }
0x52: {  	[tilespmem:s2], [sflag:$0x2] =	stream.linear.gather [hbm4b:s1+s2], $0x8000, $0x38;
	[tilespmem:$0x8080] =	vst v63  }
0x53: {  	_ =	swait.ge [sflag:s14], $0x8000  }
0x54: {  	[sflag:s14] =	ssyncset.done $0x0  }
0x55: {  	[sflag:s14] =	ssyncadd.s32 $0xFFFF8000  }
0x56: {  	[tilespmem:s15], [sflag:$0x2] =	stream.linear.gather [hbm4b:s7+s2], $0x20, $0x38;
	[tilespmem:$0x8080] =	vst v63  }
0x57: {  	_ =	swait.ge [sflag:s14], $0x20  }
0x58: {  	[sflag:s14] =	ssyncset.done $0x0  }
0x59: {  	[sflag:s14] =	ssyncadd.s32 $0xFFFFFFE0  }
0x5a: {  	v3 =	vld [tilespmem:$0x8000];
	_ =	sdelay $0x4  }
0x5b: {  	v58 =	vshll.u32 v3, $0x3  }
0x5c: {  	v3 =	vand.u32 $0x7, v3;
	v4 =	vand.u32 $0xFFFFFFC0, v58  }
0x5d: {  	v3 =	vor.u32 v3, v4  }
0x5e: {  	v4 =	vperm.xlane v3, v0;
	_ =	sdelay $0x1  }
0x5f: {  	v4 =	vadd.s32 v1, v4;
	_ =	sdelay $0x4  }
0x60: {  	[hbm4b:s3+s2] =	stream.indirect_vreg.scatter [tilespmem:s2], [sflag:$0x1], $0x80, v4, vm0, $0xb8;
	[tilespmem:$0x8080] =	vst v63  }
0x61: {  	v3 =	vperm.xlane v3, v2  }
0x62: {  	[hbm4b:s4+s2] =	stream.indirect_vreg.scatter [tilespmem:s16], [sflag:$0x1], $0x80, v4, vm0, $0xb8;
	[tilespmem:$0x8080] =	vst v63  }
0x63: {  	v3 =	vadd.s32 v1, v3  }
0x64: {  	[hbm4b:s5+s2] =	stream.indirect_vreg.scatter [tilespmem:s17], [sflag:$0x1], $0x80, v4, vm0, $0xb8;
	[tilespmem:$0x8080] =	vst v63  }
0x65: {  	_ = 	snop  }
0x66: {  	[hbm4b:s6+s2] =	stream.indirect_vreg.scatter [tilespmem:s18], [sflag:$0x1], $0x80, v4, vm0, $0xb8;
	[tilespmem:$0x8080] =	vst v63  }
0x67: {  	_ = 	snop  }
0x68: {  	[hbm4b:s3+s2] =	stream.indirect_vreg.scatter [tilespmem:s19], [sflag:$0x1], $0x80, v3, vm0, $0xb8;
	[tilespmem:$0x8080] =	vst v63  }
0x69: {  	_ = 	snop  }
0x6a: {  	[hbm4b:s4+s2] =	stream.indirect_vreg.scatter [tilespmem:s20], [sflag:$0x1], $0x80, v3, vm0, $0xb8;
	[tilespmem:$0x8080] =	vst v63  }
0x6b: {  	_ = 	snop  }
0x6c: {  	[hbm4b:s5+s2] =	stream.indirect_vreg.scatter [tilespmem:s21], [sflag:$0x1], $0x80, v3, vm0, $0xb8;
	[tilespmem:$0x8080] =	vst v63  }
0x6d: {  	_ = 	snop  }
0x6e: {  	[hbm4b:s6+s2] =	stream.indirect_vreg.scatter [tilespmem:s22], [sflag:$0x1], $0x80, v3, vm0, $0xb8;
	[tilespmem:$0x8080] =	vst v63  }
0x6f: {  	v3 =	vld [tilespmem:$0x8010];
	_ =	sdelay $0x4  }
0x70: {  	v59 =	vshll.u32 v3, $0x3  }
0x71: {  	v3 =	vand.u32 $0x7, v3;
	v4 =	vand.u32 $0xFFFFFFC0, v59  }
0x72: {  	v3 =	vor.u32 v3, v4  }
0x73: {  	v4 =	vperm.xlane v3, v0;
	_ =	sdelay $0x1  }
0x74: {  	v4 =	vadd.s32 v1, v4;
	_ =	sdelay $0x4  }
0x75: {  	[hbm4b:s3+s2] =	stream.indirect_vreg.scatter [tilespmem:s23], [sflag:$0x1], $0x80, v4, vm0, $0xb8;
	[tilespmem:$0x8080] =	vst v63  }
0x76: {  	v3 =	vperm.xlane v3, v2  }
0x77: {  	[hbm4b:s4+s2] =	stream.indirect_vreg.scatter [tilespmem:s24], [sflag:$0x1], $0x80, v4, vm0, $0xb8;
	[tilespmem:$0x8080] =	vst v63  }
0x78: {  	v3 =	vadd.s32 v1, v3  }
0x79: {  	[hbm4b:s5+s2] =	stream.indirect_vreg.scatter [tilespmem:s25], [sflag:$0x1], $0x80, v4, vm0, $0xb8;
	[tilespmem:$0x8080] =	vst v63  }
0x7a: {  	_ = 	snop  }
0x7b: {  	[hbm4b:s6+s2] =	stream.indirect_vreg.scatter [tilespmem:s26], [sflag:$0x1], $0x80, v4, vm0, $0xb8;
	[tilespmem:$0x8080] =	vst v63  }
0x7c: {  	_ = 	snop  }
0x7d: {  	[hbm4b:s3+s2] =	stream.indirect_vreg.scatter [tilespmem:s28], [sflag:$0x1], $0x80, v3, vm0, $0xb8;
	[tilespmem:$0x8080] =	vst v63  }
0x7e: {  	_ = 	snop  }
0x7f: {  	[hbm4b:s4+s2] =	stream.indirect_vreg.scatter [tilespmem:s29], [sflag:$0x1], $0x80, v3, vm0, $0xb8;
	[tilespmem:$0x8080] =	vst v63  }
0x80: {  	_ = 	snop  }
0x81: {  	[hbm4b:s5+s2] =	stream.indirect_vreg.scatter [tilespmem:s30], [sflag:$0x1], $0x80, v3, vm0, $0xb8;
	[tilespmem:$0x8080] =	vst v63  }
0x82: {  	_ = 	snop  }
0x83: {  	[hbm4b:s6+s2] =	stream.indirect_vreg.scatter [tilespmem:s31], [sflag:$0x1], $0x80, v3, vm0, $0xb8;
	[tilespmem:$0x8080] =	vst v63  }
0x84: {  	_ =	swait.ge [sflag:s0], $0x8000  }
0x85: {  	[sflag:s0] =	ssyncset.done $0x0  }
0x86: {  	[sflag:s0] =	ssyncadd.s32 $0xFFFF8000  }
0x87: {  	[tilespmem:s2], [sflag:$0x2] =	stream.linear.gather [hbm4b:s12+s2], $0x8000, $0x38;
	[tilespmem:$0x8080] =	vst v63  }
0x88: {  	_ =	swait.ge [sflag:s14], $0x8000  }
0x89: {  	[sflag:s14] =	ssyncset.done $0x0  }
0x8a: {  	[sflag:s14] =	ssyncadd.s32 $0xFFFF8000  }
0x8b: {  	[tilespmem:s15], [sflag:$0x2] =	stream.linear.gather [hbm4b:s8+s2], $0x20, $0x38;
	[tilespmem:$0x8080] =	vst v63  }
0x8c: {  	_ =	swait.ge [sflag:s14], $0x20  }
0x8d: {  	[sflag:s14] =	ssyncset.done $0x0  }
0x8e: {  	[sflag:s14] =	ssyncadd.s32 $0xFFFFFFE0  }
0x8f: {  	v3 =	vld [tilespmem:$0x8000];
	_ =	sdelay $0x4  }
0x90: {  	v60 =	vshll.u32 v3, $0x3  }
0x91: {  	v3 =	vand.u32 $0x7, v3;
	v4 =	vand.u32 $0xFFFFFFC0, v60  }
0x92: {  	v3 =	vor.u32 v3, v4  }
0x93: {  	v4 =	vperm.xlane v3, v0;
	_ =	sdelay $0x1  }
0x94: {  	v4 =	vadd.s32 v1, v4;
	_ =	sdelay $0x4  }
0x95: {  	[hbm4b:s3+s2] =	stream.indirect_vreg.scatter [tilespmem:s2], [sflag:$0x1], $0x80, v4, vm0, $0xb8;
	[tilespmem:$0x8080] =	vst v63  }
0x96: {  	v3 =	vperm.xlane v3, v2  }
0x97: {  	[hbm4b:s4+s2] =	stream.indirect_vreg.scatter [tilespmem:s16], [sflag:$0x1], $0x80, v4, vm0, $0xb8;
	[tilespmem:$0x8080] =	vst v63  }
0x98: {  	v3 =	vadd.s32 v1, v3  }
0x99: {  	[hbm4b:s5+s2] =	stream.indirect_vreg.scatter [tilespmem:s17], [sflag:$0x1], $0x80, v4, vm0, $0xb8;
	[tilespmem:$0x8080] =	vst v63  }
0x9a: {  	_ = 	snop  }
0x9b: {  	[hbm4b:s6+s2] =	stream.indirect_vreg.scatter [tilespmem:s18], [sflag:$0x1], $0x80, v4, vm0, $0xb8;
	[tilespmem:$0x8080] =	vst v63  }
0x9c: {  	_ = 	snop  }
0x9d: {  	[hbm4b:s3+s2] =	stream.indirect_vreg.scatter [tilespmem:s19], [sflag:$0x1], $0x80, v3, vm0, $0xb8;
	[tilespmem:$0x8080] =	vst v63  }
0x9e: {  	_ = 	snop  }
0x9f: {  	[hbm4b:s4+s2] =	stream.indirect_vreg.scatter [tilespmem:s20], [sflag:$0x1], $0x80, v3, vm0, $0xb8;
	[tilespmem:$0x8080] =	vst v63  }
0xa0: {  	_ = 	snop  }
0xa1: {  	[hbm4b:s5+s2] =	stream.indirect_vreg.scatter [tilespmem:s21], [sflag:$0x1], $0x80, v3, vm0, $0xb8;
	[tilespmem:$0x8080] =	vst v63  }
0xa2: {  	_ = 	snop  }
0xa3: {  	[hbm4b:s6+s2] =	stream.indirect_vreg.scatter [tilespmem:s22], [sflag:$0x1], $0x80, v3, vm0, $0xb8;
	[tilespmem:$0x8080] =	vst v63  }
0xa4: {  	v3 =	vld [tilespmem:$0x8010];
	_ =	sdelay $0x4  }
0xa5: {  	v61 =	vshll.u32 v3, $0x3  }
0xa6: {  	v3 =	vand.u32 $0x7, v3;
	v4 =	vand.u32 $0xFFFFFFC0, v61  }
0xa7: {  	v3 =	vor.u32 v3, v4  }
0xa8: {  	v4 =	vperm.xlane v3, v0;
	_ =	sdelay $0x1  }
0xa9: {  	v4 =	vadd.s32 v1, v4;
	_ =	sdelay $0x4  }
0xaa: {  	[hbm4b:s3+s2] =	stream.indirect_vreg.scatter [tilespmem:s23], [sflag:$0x1], $0x80, v4, vm0, $0xb8;
	[tilespmem:$0x8080] =	vst v63  }
0xab: {  	v3 =	vperm.xlane v3, v2  }
0xac: {  	[hbm4b:s4+s2] =	stream.indirect_vreg.scatter [tilespmem:s24], [sflag:$0x1], $0x80, v4, vm0, $0xb8;
	[tilespmem:$0x8080] =	vst v63  }
0xad: {  	v3 =	vadd.s32 v1, v3  }
0xae: {  	[hbm4b:s5+s2] =	stream.indirect_vreg.scatter [tilespmem:s25], [sflag:$0x1], $0x80, v4, vm0, $0xb8;
	[tilespmem:$0x8080] =	vst v63  }
0xaf: {  	_ = 	snop  }
0xb0: {  	[hbm4b:s6+s2] =	stream.indirect_vreg.scatter [tilespmem:s26], [sflag:$0x1], $0x80, v4, vm0, $0xb8;
	[tilespmem:$0x8080] =	vst v63  }
0xb1: {  	_ = 	snop  }
0xb2: {  	[hbm4b:s3+s2] =	stream.indirect_vreg.scatter [tilespmem:s28], [sflag:$0x1], $0x80, v3, vm0, $0xb8;
	[tilespmem:$0x8080] =	vst v63  }
0xb3: {  	_ = 	snop  }
0xb4: {  	[hbm4b:s4+s2] =	stream.indirect_vreg.scatter [tilespmem:s29], [sflag:$0x1], $0x80, v3, vm0, $0xb8;
	[tilespmem:$0x8080] =	vst v63  }
0xb5: {  	_ = 	snop  }
0xb6: {  	[hbm4b:s5+s2] =	stream.indirect_vreg.scatter [tilespmem:s30], [sflag:$0x1], $0x80, v3, vm0, $0xb8;
	[tilespmem:$0x8080] =	vst v63  }
0xb7: {  	_ = 	snop  }
0xb8: {  	[hbm4b:s6+s2] =	stream.indirect_vreg.scatter [tilespmem:s31], [sflag:$0x1], $0x80, v3, vm0, $0xb8;
	[tilespmem:$0x8080] =	vst v63  }
0xb9: {  	_ =	swait.ge [sflag:s0], $0x8000  }
0xba: {  	[sflag:s0] =	ssyncset.done $0x0  }
0xbb: {  	[sflag:s0] =	ssyncadd.s32 $0xFFFF8000  }
0xbc: {  	[tilespmem:s2], [sflag:$0x2] =	stream.linear.gather [hbm4b:s13+s2], $0x8000, $0x38;
	[tilespmem:$0x8080] =	vst v63  }
0xbd: {  	_ =	swait.ge [sflag:s14], $0x8000  }
0xbe: {  	[sflag:s14] =	ssyncset.done $0x0  }
0xbf: {  	[sflag:s14] =	ssyncadd.s32 $0xFFFF8000  }
0xc0: {  	[tilespmem:s15], [sflag:$0x2] =	stream.linear.gather [hbm4b:s9+s2], $0x20, $0x38;
	[tilespmem:$0x8080] =	vst v63  }
0xc1: {  	_ =	swait.ge [sflag:s14], $0x20  }
0xc2: {  	[sflag:s14] =	ssyncset.done $0x0  }
0xc3: {  	[sflag:s14] =	ssyncadd.s32 $0xFFFFFFE0  }
0xc4: {  	v3 =	vld [tilespmem:$0x8000];
	_ =	sdelay $0x4  }
0xc5: {  	v62 =	vshll.u32 v3, $0x3  }
0xc6: {  	v3 =	vand.u32 $0x7, v3;
	v4 =	vand.u32 $0xFFFFFFC0, v62  }
0xc7: {  	v3 =	vor.u32 v3, v4  }
0xc8: {  	v4 =	vperm.xlane v3, v0;
	_ =	sdelay $0x1  }
0xc9: {  	v4 =	vadd.s32 v1, v4;
	_ =	sdelay $0x4  }
0xca: {  	[hbm4b:s3+s2] =	stream.indirect_vreg.scatter [tilespmem:s2], [sflag:$0x1], $0x80, v4, vm0, $0xb8;
	[tilespmem:$0x8080] =	vst v63  }
0xcb: {  	v3 =	vperm.xlane v3, v2  }
0xcc: {  	[hbm4b:s4+s2] =	stream.indirect_vreg.scatter [tilespmem:s16], [sflag:$0x1], $0x80, v4, vm0, $0xb8;
	[tilespmem:$0x8080] =	vst v63  }
0xcd: {  	v3 =	vadd.s32 v1, v3  }
0xce: {  	[hbm4b:s5+s2] =	stream.indirect_vreg.scatter [tilespmem:s17], [sflag:$0x1], $0x80, v4, vm0, $0xb8;
	[tilespmem:$0x8080] =	vst v63  }
0xcf: {  	_ = 	snop  }
0xd0: {  	[hbm4b:s6+s2] =	stream.indirect_vreg.scatter [tilespmem:s18], [sflag:$0x1], $0x80, v4, vm0, $0xb8;
	[tilespmem:$0x8080] =	vst v63  }
0xd1: {  	_ = 	snop  }
0xd2: {  	[hbm4b:s3+s2] =	stream.indirect_vreg.scatter [tilespmem:s19], [sflag:$0x1], $0x80, v3, vm0, $0xb8;
	[tilespmem:$0x8080] =	vst v63  }
0xd3: {  	_ = 	snop  }
0xd4: {  	[hbm4b:s4+s2] =	stream.indirect_vreg.scatter [tilespmem:s20], [sflag:$0x1], $0x80, v3, vm0, $0xb8;
	[tilespmem:$0x8080] =	vst v63  }
0xd5: {  	_ = 	snop  }
0xd6: {  	[hbm4b:s5+s2] =	stream.indirect_vreg.scatter [tilespmem:s21], [sflag:$0x1], $0x80, v3, vm0, $0xb8;
	[tilespmem:$0x8080] =	vst v63  }
0xd7: {  	_ = 	snop  }
0xd8: {  	[hbm4b:s6+s2] =	stream.indirect_vreg.scatter [tilespmem:s22], [sflag:$0x1], $0x80, v3, vm0, $0xb8;
	[tilespmem:$0x8080] =	vst v63  }
0xd9: {  	v3 =	vld [tilespmem:$0x8010];
	_ =	sdelay $0x4  }
0xda: {  	v63 =	vshll.u32 v3, $0x3  }
0xdb: {  	v3 =	vand.u32 $0x7, v3;
	v4 =	vand.u32 $0xFFFFFFC0, v63  }
0xdc: {  	v3 =	vor.u32 v3, v4  }
0xdd: {  	v4 =	vperm.xlane v3, v0;
	_ =	sdelay $0x1  }
0xde: {  	v4 =	vadd.s32 v1, v4;
	_ =	sdelay $0x4  }
0xdf: {  	[hbm4b:s3+s2] =	stream.indirect_vreg.scatter [tilespmem:s23], [sflag:$0x1], $0x80, v4, vm0, $0xb8;
	[tilespmem:$0x8080] =	vst v63  }
0xe0: {  	v3 =	vperm.xlane v3, v2  }
0xe1: {  	[hbm4b:s4+s2] =	stream.indirect_vreg.scatter [tilespmem:s24], [sflag:$0x1], $0x80, v4, vm0, $0xb8;
	[tilespmem:$0x8080] =	vst v63  }
0xe2: {  	v3 =	vadd.s32 v1, v3  }
0xe3: {  	[hbm4b:s5+s2] =	stream.indirect_vreg.scatter [tilespmem:s25], [sflag:$0x1], $0x80, v4, vm0, $0xb8;
	[tilespmem:$0x8080] =	vst v63  }
0xe4: {  	_ = 	snop  }
0xe5: {  	[hbm4b:s6+s2] =	stream.indirect_vreg.scatter [tilespmem:s26], [sflag:$0x1], $0x80, v4, vm0, $0xb8;
	[tilespmem:$0x8080] =	vst v63  }
0xe6: {  	_ = 	snop  }
0xe7: {  	[hbm4b:s3+s2] =	stream.indirect_vreg.scatter [tilespmem:s28], [sflag:$0x1], $0x80, v3, vm0, $0xb8;
	[tilespmem:$0x8080] =	vst v63  }
0xe8: {  	_ = 	snop  }
0xe9: {  	[hbm4b:s4+s2] =	stream.indirect_vreg.scatter [tilespmem:s29], [sflag:$0x1], $0x80, v3, vm0, $0xb8;
	[tilespmem:$0x8080] =	vst v63  }
0xea: {  	p0 =	sne.s32 s10, $0x1  }
0xeb: {  	[hbm4b:s5+s2] =	stream.indirect_vreg.scatter [tilespmem:s30], [sflag:$0x1], $0x80, v3, vm0, $0xb8;
	[tilespmem:$0x8080] =	vst v63  }
.Ltmp0:
0xec: {  	_ = 	snop;
	(pc) =	sbr.rel @p0 .LBB2_1-.Ltmp0, $4  }
0xed: {  	[hbm4b:s6+s2] =	stream.indirect_vreg.scatter [tilespmem:s31], [sflag:$0x1], $0x80, v3, vm0, $0xb8;
	[tilespmem:$0x8080] =	vst v63  }
0xee: {  	_ =	swait.ge [sflag:s0], $0x8000  }
0xef: {  	[sflag:s0] =	ssyncset.done $0x0  }
0xf0: {  	s10 =	sadd.s32 $0xFFFFFFFF, s10;
	[sflag:s0] =	ssyncadd.s32 $0xFFFF8000  }
0xf1: {  	_ =	sfence.sel $0x180000  }
0xf2: {  	[bflag:$0x0] =	sbarrier.arrive $0xFFFF  }
0xf3: {  	_ =	strace $0x90000047  }
0xf4: {  	s0 =	stileid.u32;
	[bflag:$0x2] =	sbarrier.arrive $0xFFFF  }
0xf5: {  	p0 =	sne.s32 s0, $0x0;
	s0 =	rddreg [dreg:$0x2]  }
0xf6: {  	s0 =	sadd.s32 @!p0 $0x100000, s0  }
0xf7: {  	[sflag:s0] =	ssyncadd.tile.s32 @!p0 $0x1;
	_ =	shalt  }
.Lfunc_end2:
_tile_overlayer_lowered:
.L_overlay_start_2:
0xf8: {  	(tag) =	ssettag $0x2  }
0xf9: {  	s0 =	rddreg [dreg:$0x0];
	s2 =	stileid.u32  }
0xfa: {  	s1 =	rddreg [dreg:$0x1];
	p0 =	sne.s32 s2, $0x0  }
0xfb: {  	s3 =	rddreg [dreg:$0x2];
	[bflag:$0x3] =	sbarrier.arrive $0xFFFF;
	s2 =	simm.s32 @!p0 $0x1C02  }
0xfc: {  	[timem:s3], [sflag:s2] =	dma.local @!p0 [hbm:s0], s1  }
0xfd: {  	s0 =	simm.s32 @!p0 $0x2  }
0xfe: {  	_ =	swait.ge @!p0 [sflag:s0], s1  }
0xff: {  	s1 =	ssub.s32 @!p0 $0x0, s1;
	[sflag:s0] =	ssyncset.done @!p0 $0x0  }
0x100: {  	[sflag:s0] =	ssyncadd.s32 @!p0 s1  }
0x101: {  	[bflag:$0x3] =	sbarrier.arrive $0xFFFF  }
0x102: {  	_ =	shalt  }

</sc_bundles>
